<compile_context>
chip_gen: v7x
topology: tpu7x:2x2x1
jax: 0.10.2.dev20260603
libtpu: 0.0.44.dev20260713+nightly
codegen_flags: <defaults>
</compile_context>

<pallas_src>
import functools

import jax
import jax.numpy as jnp
from jax import lax
from jax.experimental import pallas as pl
from jax.experimental.pallas import tpu as pltpu
from jax.experimental.pallas import tpu_sc as plsc

D = 1024
B = 4
S = 2048
EPS = 1e-5
NW = 32
NPH = 4
PPP = S // NPH
RPH = B * PPP
RPW = RPH // NW
CHG = 32
RPB = 512
BPB = PPP // RPB

_mesh = plsc.VectorSubcoreMesh(core_axis_name="c", subcore_axis_name="s")


@functools.partial(
    pl.kernel,
    mesh=_mesh,
    out_type=jax.ShapeDtypeStruct((RPH, D), jnp.float32),
    scratch_types=[
        pltpu.VMEM((RPW,), jnp.int32),
        pltpu.VMEM((2 * CHG, D), jnp.float32),
        pltpu.SemaphoreType.DMA((2,)),
        pltpu.SemaphoreType.DMA((2,)),
    ],
)
def _sc_gather(ids_hbm, tok_hbm, out_hbm, idx_v, buf, gsem, ssem):
    wid = lax.axis_index("s") * 2 + lax.axis_index("c")
    r0 = wid * RPW

    pltpu.sync_copy(ids_hbm.at[pl.ds(r0, RPW)], idx_v)

    gathers = []
    for k in range(2):
        gathers.append(pltpu.async_copy(
            tok_hbm.at[idx_v.at[pl.ds(k * CHG, CHG)]],
            buf.at[pl.ds(k * CHG, CHG)], gsem.at[k]))

    stores = []
    for k in range(2):
        gathers[k].wait()
        stores.append(pltpu.async_copy(
            buf.at[pl.ds(k * CHG, CHG)],
            out_hbm.at[pl.ds(r0 + k * CHG, CHG)], ssem.at[k]))
    for k in range(2):
        stores[k].wait()


def _ln_math(t_ref, p_ref, g_ref, b_ref, o_ref):
    x = t_ref[...] + p_ref[...]
    mu = jnp.mean(x, axis=1, keepdims=True)
    xc = x - mu
    var = jnp.mean(xc * xc, axis=1, keepdims=True)
    o_ref[0] = xc * lax.rsqrt(var + EPS) * g_ref[...] + b_ref[...]


def _ln_first_body(t_ref, p_ref, g_ref, b_ref, o_ref):
    _ln_math(t_ref, p_ref, g_ref, b_ref, o_ref)


def _ln_next_body(acc_ref, t_ref, p_ref, g_ref, b_ref, o_ref):
    _ln_math(t_ref, p_ref, g_ref, b_ref, o_ref)


def _make_ln(q):
    data_specs = [
        pl.BlockSpec((RPB, D), lambda b, i: (b * BPB + i, 0)),
        pl.BlockSpec((RPB, D), lambda b, i: (q * BPB + i, 0)),
        pl.BlockSpec((1, D), lambda b, i: (0, 0)),
        pl.BlockSpec((1, D), lambda b, i: (0, 0)),
    ]
    out_spec = pl.BlockSpec((1, RPB, D), lambda b, i: (b, q * BPB + i, 0))
    out_shape = jax.ShapeDtypeStruct((B, S, D), jnp.float32)
    if q == 0:
        return pl.pallas_call(
            _ln_first_body, grid=(B, BPB), in_specs=data_specs,
            out_specs=out_spec, out_shape=out_shape)
    return pl.pallas_call(
        _ln_next_body, grid=(B, BPB),
        in_specs=[pl.BlockSpec(memory_space=pl.ANY)] + data_specs,
        out_specs=out_spec, out_shape=out_shape,
        input_output_aliases={0: 0})


_ln_calls = [_make_ln(q) for q in range(NPH)]


def kernel(input_ids, tok_table, pos_table, gamma, beta):
    ids = jnp.asarray(input_ids, jnp.int32)
    g2 = gamma.reshape(1, D)
    b2 = beta.reshape(1, D)
    out = None
    prev = _sc_gather(ids[:, 0:PPP].reshape(-1), tok_table)
    for q in range(NPH):
        if q + 1 < NPH:
            nxt = _sc_gather(
                ids[:, (q + 1) * PPP:(q + 2) * PPP].reshape(-1), tok_table)
        else:
            nxt = None
        if q == 0:
            out = _ln_calls[0](prev, pos_table, g2, b2)
        else:
            out = _ln_calls[q](out, prev, pos_table, g2, b2)
        prev = nxt
    return out

# --- scband reference (transcript-rebuilt; emitter-appended) ---
"""Pipeline reference for scband-embeddings-5145370821114 (READ-ONLY COPY).

The authoritative reference and input builder live on the scoring server;
editing this copy changes nothing except your own understanding.
"""

import jax, jax.numpy as jnp
import numpy as np

VOCAB = 100000
MAX_POS = 2048
D_MODEL = 1024
BATCH = 4
SEQ = 2048
EPS = 1e-5


def setup_inputs(seed: int = 0) -> dict:
    key = jax.random.key(seed)
    k1, k2, k3 = jax.random.split(key, 3)
    input_ids = jax.random.randint(k1, (BATCH, SEQ), 0, VOCAB, dtype=jnp.int64 if jax.config.jax_enable_x64 else jnp.int32)
    tok_table = jax.random.normal(k2, (VOCAB, D_MODEL), dtype=jnp.float32) * 0.02
    pos_table = jax.random.normal(k3, (MAX_POS, D_MODEL), dtype=jnp.float32) * 0.02
    gamma = jnp.ones((D_MODEL,), dtype=jnp.float32)
    beta = jnp.zeros((D_MODEL,), dtype=jnp.float32)
    return {"input_ids": input_ids, "tok_table": tok_table, "pos_table": pos_table, "gamma": gamma, "beta": beta}


def reference(input_ids, tok_table, pos_table, gamma, beta):
    seq_length = input_ids.shape[1]
    position_ids = jnp.arange(seq_length, dtype=input_ids.dtype)[None, :]
    token_embeddings = jnp.take(tok_table, input_ids, axis=0)
    position_embeddings = jnp.take(pos_table, position_ids, axis=0)
    embeddings = token_embeddings + position_embeddings
    mean = jnp.mean(embeddings, axis=-1, keepdims=True)
    var = jnp.mean(jnp.square(embeddings - mean), axis=-1, keepdims=True)
    normed = (embeddings - mean) / jnp.sqrt(var + EPS)
    return normed * gamma + beta

if __name__ == "__main__":
    import jax
    _d = setup_inputs()
    print(jax.jit(kernel)(*tuple(_d.values())))

</pallas_src>

<mosaic_0001>
#map = affine_map<(d0, d1) -> (0)>
#map1 = affine_map<(d0, d1) -> (0, 0)>
module attributes {stable_mosaic.version = 14 : i64} {
  func.func @_sc_gather(%arg0: i32, %arg1: i32, %arg2: memref<2048xi32, #tpu.memory_space<hbm>>, %arg3: memref<100000x1024xf32, #tpu.memory_space<hbm>>, %arg4: memref<2048x1024xf32, #tpu.memory_space<hbm>>, %arg5: memref<64xi32, #tpu.memory_space<vmem>>, %arg6: memref<64x1024xf32, #tpu.memory_space<vmem>>, %arg7: memref<2x!tpu.dma_semaphore, #tpu.memory_space<semaphore_mem>>, %arg8: memref<2x!tpu.dma_semaphore, #tpu.memory_space<semaphore_mem>>) attributes {dimension_semantics = [#tpu.dimension_semantics<core_parallel>, #tpu.dimension_semantics<subcore_parallel>], iteration_bounds = array<i64: 2, 16>, scalar_prefetch = 0 : i64, scratch_operands = 4 : i64, tpu.core_type = #tpu.core_type<sc_vector_subcore>, window_params = [{transform_indices = #map}, {transform_indices = #map1}, {transform_indices = #map1}]} {
    %mul3A = arith.constant 2 : i32
    %mul3A_0 = arith.muli %arg1, %mul3A : i32
    %add3A = arith.addi %mul3A_0, %arg0 : i32
    %mul3A_1 = arith.constant 64 : i32
    %mul3A_2 = arith.muli %add3A, %mul3A_1 : i32
    "tpu.region"() ({
      %run_scoped3A = tpu.sem_alloc : memref<!tpu.dma_semaphore, #tpu.memory_space<semaphore_mem>>
      %dma_start3A_101 = tpu.memref_slice %arg2[%mul3A_2] : memref<2048xi32, #tpu.memory_space<hbm>> -> memref<64xi32, #tpu.memory_space<hbm>>
      %dma_start3A_102 = tpu.memref_slice %arg2[%mul3A_2] : memref<2048xi32, #tpu.memory_space<hbm>> -> memref<64xi32, #tpu.memory_space<hbm>>
      tpu.enqueue_dma source(%dma_start3A_102 : memref<64xi32, #tpu.memory_space<hbm>>) target(%arg5 : memref<64xi32, #tpu.memory_space<vmem>>) target_semaphore(%run_scoped3A : memref<!tpu.dma_semaphore, #tpu.memory_space<semaphore_mem>>)
      %dma_wait3A_103 = tpu.memref_slice %arg2[%mul3A_2] : memref<2048xi32, #tpu.memory_space<hbm>> -> memref<64xi32, #tpu.memory_space<hbm>>
      %dma_wait3A_104 = tpu.memref_slice %arg2[%mul3A_2] : memref<2048xi32, #tpu.memory_space<hbm>> -> memref<64xi32, #tpu.memory_space<hbm>>
      tpu.wait_dma2 semaphore(%run_scoped3A : memref<!tpu.dma_semaphore, #tpu.memory_space<semaphore_mem>>) src(%dma_wait3A_104 : memref<64xi32, #tpu.memory_space<hbm>>) dst(%arg5 : memref<64xi32, #tpu.memory_space<vmem>>)
      tpu.yield
    }) : () -> ()
    %dma_start3A = arith.constant 0 : i32
    %dma_start3A_3 = arith.constant 0 : i32
    %dma_start3A_4 = arith.constant 0 : i32
    %dma_start3A_5 = tpu.memref_slice %arg6[%dma_start3A_3, %dma_start3A_4] : memref<64x1024xf32, #tpu.memory_space<vmem>> -> memref<32x1024xf32, #tpu.memory_space<vmem>>
    %dma_start3A_6 = arith.constant 0 : i32
    %dma_start3A_7 = tpu.memref_slice %arg5[%dma_start3A_6] : memref<64xi32, #tpu.memory_space<vmem>> -> memref<32xi32, #tpu.memory_space<vmem>>
    %dma_start3A_8 = arith.constant 0 : i32
    %dma_start3A_9 = arith.constant 0 : i32
    %dma_start3A_10 = tpu.memref_slice %arg3[%dma_start3A_8, %dma_start3A_9] : memref<100000x1024xf32, #tpu.memory_space<hbm>> -> memref<100000x1024xf32, #tpu.memory_space<hbm>>
    %dma_start3A_11 = tpu.memref_slice %arg7[%dma_start3A] : memref<2x!tpu.dma_semaphore, #tpu.memory_space<semaphore_mem>> -> memref<1x!tpu.dma_semaphore, #tpu.memory_space<semaphore_mem>>
    %dma_start3A_12 = tpu.memref_squeeze %dma_start3A_11 : memref<1x!tpu.dma_semaphore, #tpu.memory_space<semaphore_mem>> -> memref<!tpu.dma_semaphore, #tpu.memory_space<semaphore_mem>>
    tpu.enqueue_indirect_dma source(%dma_start3A_10 : memref<100000x1024xf32, #tpu.memory_space<hbm>>) target(%dma_start3A_5 : memref<32x1024xf32, #tpu.memory_space<vmem>>) offsets(%dma_start3A_7 : memref<32xi32, #tpu.memory_space<vmem>>) semaphore(%dma_start3A_12 : memref<!tpu.dma_semaphore, #tpu.memory_space<semaphore_mem>>)
    %dma_start3A_13 = arith.constant 1 : i32
    %dma_start3A_14 = arith.constant 32 : i32
    %dma_start3A_15 = arith.constant 0 : i32
    %dma_start3A_16 = tpu.memref_slice %arg6[%dma_start3A_14, %dma_start3A_15] : memref<64x1024xf32, #tpu.memory_space<vmem>> -> memref<32x1024xf32, #tpu.memory_space<vmem>>
    %dma_start3A_17 = arith.constant 32 : i32
    %dma_start3A_18 = tpu.memref_slice %arg5[%dma_start3A_17] : memref<64xi32, #tpu.memory_space<vmem>> -> memref<32xi32, #tpu.memory_space<vmem>>
    %dma_start3A_19 = arith.constant 0 : i32
    %dma_start3A_20 = arith.constant 0 : i32
    %dma_start3A_21 = tpu.memref_slice %arg3[%dma_start3A_19, %dma_start3A_20] : memref<100000x1024xf32, #tpu.memory_space<hbm>> -> memref<100000x1024xf32, #tpu.memory_space<hbm>>
    %dma_start3A_22 = tpu.memref_slice %arg7[%dma_start3A_13] : memref<2x!tpu.dma_semaphore, #tpu.memory_space<semaphore_mem>> -> memref<1x!tpu.dma_semaphore, #tpu.memory_space<semaphore_mem>>
    %dma_start3A_23 = tpu.memref_squeeze %dma_start3A_22 : memref<1x!tpu.dma_semaphore, #tpu.memory_space<semaphore_mem>> -> memref<!tpu.dma_semaphore, #tpu.memory_space<semaphore_mem>>
    tpu.enqueue_indirect_dma source(%dma_start3A_21 : memref<100000x1024xf32, #tpu.memory_space<hbm>>) target(%dma_start3A_16 : memref<32x1024xf32, #tpu.memory_space<vmem>>) offsets(%dma_start3A_18 : memref<32xi32, #tpu.memory_space<vmem>>) semaphore(%dma_start3A_23 : memref<!tpu.dma_semaphore, #tpu.memory_space<semaphore_mem>>)
    %dma_wait3A = arith.constant 0 : i32
    %dma_wait3A_24 = arith.constant 0 : i32
    %dma_wait3A_25 = arith.constant 0 : i32
    %dma_wait3A_26 = tpu.memref_slice %arg6[%dma_wait3A_24, %dma_wait3A_25] : memref<64x1024xf32, #tpu.memory_space<vmem>> -> memref<32x1024xf32, #tpu.memory_space<vmem>>
    %dma_wait3A_27 = arith.constant 0 : i32
    %dma_wait3A_28 = tpu.memref_slice %arg5[%dma_wait3A_27] : memref<64xi32, #tpu.memory_space<vmem>> -> memref<32xi32, #tpu.memory_space<vmem>>
    %dma_wait3A_29 = arith.constant 0 : i32
    %dma_wait3A_30 = arith.constant 0 : i32
    %dma_wait3A_31 = tpu.memref_slice %arg3[%dma_wait3A_29, %dma_wait3A_30] : memref<100000x1024xf32, #tpu.memory_space<hbm>> -> memref<100000x1024xf32, #tpu.memory_space<hbm>>
    %dma_wait3A_32 = tpu.memref_slice %arg7[%dma_wait3A] : memref<2x!tpu.dma_semaphore, #tpu.memory_space<semaphore_mem>> -> memref<1x!tpu.dma_semaphore, #tpu.memory_space<semaphore_mem>>
    %dma_wait3A_33 = tpu.memref_squeeze %dma_wait3A_32 : memref<1x!tpu.dma_semaphore, #tpu.memory_space<semaphore_mem>> -> memref<!tpu.dma_semaphore, #tpu.memory_space<semaphore_mem>>
    tpu.wait_indirect_dma semaphore(%dma_wait3A_33 : memref<!tpu.dma_semaphore, #tpu.memory_space<semaphore_mem>>) src(%dma_wait3A_31 : memref<100000x1024xf32, #tpu.memory_space<hbm>>) dst(%dma_wait3A_26 : memref<32x1024xf32, #tpu.memory_space<vmem>>)
    %add3A_34 = arith.constant 0 : i32
    %add3A_35 = arith.addi %mul3A_2, %add3A_34 : i32
    %dma_start3A_36 = arith.constant 0 : i32
    %dma_start3A_37 = arith.constant 0 : i32
    %dma_start3A_38 = arith.constant 0 : i32
    %dma_start3A_39 = tpu.memref_slice %arg6[%dma_start3A_37, %dma_start3A_38] : memref<64x1024xf32, #tpu.memory_space<vmem>> -> memref<32x1024xf32, #tpu.memory_space<vmem>>
    %dma_start3A_40 = arith.constant 0 : i32
    %dma_start3A_41 = tpu.memref_slice %arg4[%add3A_35, %dma_start3A_40] : memref<2048x1024xf32, #tpu.memory_space<hbm>> -> memref<32x1024xf32, #tpu.memory_space<hbm>>
    %dma_start3A_42 = tpu.memref_slice %arg8[%dma_start3A_36] : memref<2x!tpu.dma_semaphore, #tpu.memory_space<semaphore_mem>> -> memref<1x!tpu.dma_semaphore, #tpu.memory_space<semaphore_mem>>
    %dma_start3A_43 = tpu.memref_squeeze %dma_start3A_42 : memref<1x!tpu.dma_semaphore, #tpu.memory_space<semaphore_mem>> -> memref<!tpu.dma_semaphore, #tpu.memory_space<semaphore_mem>>
    %dma_start3A_44 = arith.constant 0 : i32
    %dma_start3A_45 = tpu.memref_slice %arg4[%add3A_35, %dma_start3A_44] : memref<2048x1024xf32, #tpu.memory_space<hbm>> -> memref<32x1024xf32, #tpu.memory_space<hbm>>
    %dma_start3A_46 = arith.constant 0 : i32
    %dma_start3A_47 = arith.constant 0 : i32
    %dma_start3A_48 = tpu.memref_slice %arg6[%dma_start3A_46, %dma_start3A_47] : memref<64x1024xf32, #tpu.memory_space<vmem>> -> memref<32x1024xf32, #tpu.memory_space<vmem>>
    tpu.enqueue_dma source(%dma_start3A_48 : memref<32x1024xf32, #tpu.memory_space<vmem>>) target(%dma_start3A_45 : memref<32x1024xf32, #tpu.memory_space<hbm>>) target_semaphore(%dma_start3A_43 : memref<!tpu.dma_semaphore, #tpu.memory_space<semaphore_mem>>)
    %dma_wait3A_49 = arith.constant 1 : i32
    %dma_wait3A_50 = arith.constant 32 : i32
    %dma_wait3A_51 = arith.constant 0 : i32
    %dma_wait3A_52 = tpu.memref_slice %arg6[%dma_wait3A_50, %dma_wait3A_51] : memref<64x1024xf32, #tpu.memory_space<vmem>> -> memref<32x1024xf32, #tpu.memory_space<vmem>>
    %dma_wait3A_53 = arith.constant 32 : i32
    %dma_wait3A_54 = tpu.memref_slice %arg5[%dma_wait3A_53] : memref<64xi32, #tpu.memory_space<vmem>> -> memref<32xi32, #tpu.memory_space<vmem>>
    %dma_wait3A_55 = arith.constant 0 : i32
    %dma_wait3A_56 = arith.constant 0 : i32
    %dma_wait3A_57 = tpu.memref_slice %arg3[%dma_wait3A_55, %dma_wait3A_56] : memref<100000x1024xf32, #tpu.memory_space<hbm>> -> memref<100000x1024xf32, #tpu.memory_space<hbm>>
    %dma_wait3A_58 = tpu.memref_slice %arg7[%dma_wait3A_49] : memref<2x!tpu.dma_semaphore, #tpu.memory_space<semaphore_mem>> -> memref<1x!tpu.dma_semaphore, #tpu.memory_space<semaphore_mem>>
    %dma_wait3A_59 = tpu.memref_squeeze %dma_wait3A_58 : memref<1x!tpu.dma_semaphore, #tpu.memory_space<semaphore_mem>> -> memref<!tpu.dma_semaphore, #tpu.memory_space<semaphore_mem>>
    tpu.wait_indirect_dma semaphore(%dma_wait3A_59 : memref<!tpu.dma_semaphore, #tpu.memory_space<semaphore_mem>>) src(%dma_wait3A_57 : memref<100000x1024xf32, #tpu.memory_space<hbm>>) dst(%dma_wait3A_52 : memref<32x1024xf32, #tpu.memory_space<vmem>>)
    %add3A_60 = arith.constant 32 : i32
    %add3A_61 = arith.addi %mul3A_2, %add3A_60 : i32
    %dma_start3A_62 = arith.constant 1 : i32
    %dma_start3A_63 = arith.constant 32 : i32
    %dma_start3A_64 = arith.constant 0 : i32
    %dma_start3A_65 = tpu.memref_slice %arg6[%dma_start3A_63, %dma_start3A_64] : memref<64x1024xf32, #tpu.memory_space<vmem>> -> memref<32x1024xf32, #tpu.memory_space<vmem>>
    %dma_start3A_66 = arith.constant 0 : i32
    %dma_start3A_67 = tpu.memref_slice %arg4[%add3A_61, %dma_start3A_66] : memref<2048x1024xf32, #tpu.memory_space<hbm>> -> memref<32x1024xf32, #tpu.memory_space<hbm>>
    %dma_start3A_68 = tpu.memref_slice %arg8[%dma_start3A_62] : memref<2x!tpu.dma_semaphore, #tpu.memory_space<semaphore_mem>> -> memref<1x!tpu.dma_semaphore, #tpu.memory_space<semaphore_mem>>
    %dma_start3A_69 = tpu.memref_squeeze %dma_start3A_68 : memref<1x!tpu.dma_semaphore, #tpu.memory_space<semaphore_mem>> -> memref<!tpu.dma_semaphore, #tpu.memory_space<semaphore_mem>>
    %dma_start3A_70 = arith.constant 0 : i32
    %dma_start3A_71 = tpu.memref_slice %arg4[%add3A_61, %dma_start3A_70] : memref<2048x1024xf32, #tpu.memory_space<hbm>> -> memref<32x1024xf32, #tpu.memory_space<hbm>>
    %dma_start3A_72 = arith.constant 32 : i32
    %dma_start3A_73 = arith.constant 0 : i32
    %dma_start3A_74 = tpu.memref_slice %arg6[%dma_start3A_72, %dma_start3A_73] : memref<64x1024xf32, #tpu.memory_space<vmem>> -> memref<32x1024xf32, #tpu.memory_space<vmem>>
    tpu.enqueue_dma source(%dma_start3A_74 : memref<32x1024xf32, #tpu.memory_space<vmem>>) target(%dma_start3A_71 : memref<32x1024xf32, #tpu.memory_space<hbm>>) target_semaphore(%dma_start3A_69 : memref<!tpu.dma_semaphore, #tpu.memory_space<semaphore_mem>>)
    %dma_wait3A_75 = arith.constant 0 : i32
    %dma_wait3A_76 = arith.constant 0 : i32
    %dma_wait3A_77 = arith.constant 0 : i32
    %dma_wait3A_78 = tpu.memref_slice %arg6[%dma_wait3A_76, %dma_wait3A_77] : memref<64x1024xf32, #tpu.memory_space<vmem>> -> memref<32x1024xf32, #tpu.memory_space<vmem>>
    %dma_wait3A_79 = arith.constant 0 : i32
    %dma_wait3A_80 = tpu.memref_slice %arg4[%add3A_35, %dma_wait3A_79] : memref<2048x1024xf32, #tpu.memory_space<hbm>> -> memref<32x1024xf32, #tpu.memory_space<hbm>>
    %dma_wait3A_81 = tpu.memref_slice %arg8[%dma_wait3A_75] : memref<2x!tpu.dma_semaphore, #tpu.memory_space<semaphore_mem>> -> memref<1x!tpu.dma_semaphore, #tpu.memory_space<semaphore_mem>>
    %dma_wait3A_82 = tpu.memref_squeeze %dma_wait3A_81 : memref<1x!tpu.dma_semaphore, #tpu.memory_space<semaphore_mem>> -> memref<!tpu.dma_semaphore, #tpu.memory_space<semaphore_mem>>
    %dma_wait3A_83 = arith.constant 0 : i32
    %dma_wait3A_84 = tpu.memref_slice %arg4[%add3A_35, %dma_wait3A_83] : memref<2048x1024xf32, #tpu.memory_space<hbm>> -> memref<32x1024xf32, #tpu.memory_space<hbm>>
    %dma_wait3A_85 = arith.constant 0 : i32
    %dma_wait3A_86 = arith.constant 0 : i32
    %dma_wait3A_87 = tpu.memref_slice %arg6[%dma_wait3A_85, %dma_wait3A_86] : memref<64x1024xf32, #tpu.memory_space<vmem>> -> memref<32x1024xf32, #tpu.memory_space<vmem>>
    tpu.wait_dma2 semaphore(%dma_wait3A_82 : memref<!tpu.dma_semaphore, #tpu.memory_space<semaphore_mem>>) src(%dma_wait3A_87 : memref<32x1024xf32, #tpu.memory_space<vmem>>) dst(%dma_wait3A_84 : memref<32x1024xf32, #tpu.memory_space<hbm>>)
    %dma_wait3A_88 = arith.constant 1 : i32
    %dma_wait3A_89 = arith.constant 32 : i32
    %dma_wait3A_90 = arith.constant 0 : i32
    %dma_wait3A_91 = tpu.memref_slice %arg6[%dma_wait3A_89, %dma_wait3A_90] : memref<64x1024xf32, #tpu.memory_space<vmem>> -> memref<32x1024xf32, #tpu.memory_space<vmem>>
    %dma_wait3A_92 = arith.constant 0 : i32
    %dma_wait3A_93 = tpu.memref_slice %arg4[%add3A_61, %dma_wait3A_92] : memref<2048x1024xf32, #tpu.memory_space<hbm>> -> memref<32x1024xf32, #tpu.memory_space<hbm>>
    %dma_wait3A_94 = tpu.memref_slice %arg8[%dma_wait3A_88] : memref<2x!tpu.dma_semaphore, #tpu.memory_space<semaphore_mem>> -> memref<1x!tpu.dma_semaphore, #tpu.memory_space<semaphore_mem>>
    %dma_wait3A_95 = tpu.memref_squeeze %dma_wait3A_94 : memref<1x!tpu.dma_semaphore, #tpu.memory_space<semaphore_mem>> -> memref<!tpu.dma_semaphore, #tpu.memory_space<semaphore_mem>>
    %dma_wait3A_96 = arith.constant 0 : i32
    %dma_wait3A_97 = tpu.memref_slice %arg4[%add3A_61, %dma_wait3A_96] : memref<2048x1024xf32, #tpu.memory_space<hbm>> -> memref<32x1024xf32, #tpu.memory_space<hbm>>
    %dma_wait3A_98 = arith.constant 32 : i32
    %dma_wait3A_99 = arith.constant 0 : i32
    %dma_wait3A_100 = tpu.memref_slice %arg6[%dma_wait3A_98, %dma_wait3A_99] : memref<64x1024xf32, #tpu.memory_space<vmem>> -> memref<32x1024xf32, #tpu.memory_space<vmem>>
    tpu.wait_dma2 semaphore(%dma_wait3A_95 : memref<!tpu.dma_semaphore, #tpu.memory_space<semaphore_mem>>) src(%dma_wait3A_100 : memref<32x1024xf32, #tpu.memory_space<vmem>>) dst(%dma_wait3A_97 : memref<32x1024xf32, #tpu.memory_space<hbm>>)
    return
  }
}

#map = affine_map<(d0, d1) -> (0)>
#map1 = affine_map<(d0, d1) -> (0, 0)>
module attributes {stable_mosaic.version = 14 : i64} {
  func.func @_sc_gather(%arg0: i32, %arg1: i32, %arg2: memref<2048xi32, #tpu.memory_space<hbm>>, %arg3: memref<100000x1024xf32, #tpu.memory_space<hbm>>, %arg4: memref<2048x1024xf32, #tpu.memory_space<hbm>>, %arg5: memref<64xi32, #tpu.memory_space<vmem>>, %arg6: memref<64x1024xf32, #tpu.memory_space<vmem>>, %arg7: memref<2x!tpu.dma_semaphore, #tpu.memory_space<semaphore_mem>>, %arg8: memref<2x!tpu.dma_semaphore, #tpu.memory_space<semaphore_mem>>) attributes {dimension_semantics = [#tpu.dimension_semantics<core_parallel>, #tpu.dimension_semantics<subcore_parallel>], iteration_bounds = array<i64: 2, 16>, scalar_prefetch = 0 : i64, scratch_operands = 4 : i64, tpu.core_type = #tpu.core_type<sc_vector_subcore>, window_params = [{transform_indices = #map}, {transform_indices = #map1}, {transform_indices = #map1}]} {
    %mul3A = arith.constant 2 : i32
    %mul3A_0 = arith.muli %arg1, %mul3A : i32
    %add3A = arith.addi %mul3A_0, %arg0 : i32
    %mul3A_1 = arith.constant 64 : i32
    %mul3A_2 = arith.muli %add3A, %mul3A_1 : i32
    "tpu.region"() ({
      %run_scoped3A = tpu.sem_alloc : memref<!tpu.dma_semaphore, #tpu.memory_space<semaphore_mem>>
      %dma_start3A_101 = tpu.memref_slice %arg2[%mul3A_2] : memref<2048xi32, #tpu.memory_space<hbm>> -> memref<64xi32, #tpu.memory_space<hbm>>
      %dma_start3A_102 = tpu.memref_slice %arg2[%mul3A_2] : memref<2048xi32, #tpu.memory_space<hbm>> -> memref<64xi32, #tpu.memory_space<hbm>>
      tpu.enqueue_dma source(%dma_start3A_102 : memref<64xi32, #tpu.memory_space<hbm>>) target(%arg5 : memref<64xi32, #tpu.memory_space<vmem>>) target_semaphore(%run_scoped3A : memref<!tpu.dma_semaphore, #tpu.memory_space<semaphore_mem>>)
      %dma_wait3A_103 = tpu.memref_slice %arg2[%mul3A_2] : memref<2048xi32, #tpu.memory_space<hbm>> -> memref<64xi32, #tpu.memory_space<hbm>>
      %dma_wait3A_104 = tpu.memref_slice %arg2[%mul3A_2] : memref<2048xi32, #tpu.memory_space<hbm>> -> memref<64xi32, #tpu.memory_space<hbm>>
      tpu.wait_dma2 semaphore(%run_scoped3A : memref<!tpu.dma_semaphore, #tpu.memory_space<semaphore_mem>>) src(%dma_wait3A_104 : memref<64xi32, #tpu.memory_space<hbm>>) dst(%arg5 : memref<64xi32, #tpu.memory_space<vmem>>)
      tpu.yield
    }) : () -> ()
    %dma_start3A = arith.constant 0 : i32
    %dma_start3A_3 = arith.constant 0 : i32
    %dma_start3A_4 = arith.constant 0 : i32
    %dma_start3A_5 = tpu.memref_slice %arg6[%dma_start3A_3, %dma_start3A_4] : memref<64x1024xf32, #tpu.memory_space<vmem>> -> memref<32x1024xf32, #tpu.memory_space<vmem>>
    %dma_start3A_6 = arith.constant 0 : i32
    %dma_start3A_7 = tpu.memref_slice %arg5[%dma_start3A_6] : memref<64xi32, #tpu.memory_space<vmem>> -> memref<32xi32, #tpu.memory_space<vmem>>
    %dma_start3A_8 = arith.constant 0 : i32
    %dma_start3A_9 = arith.constant 0 : i32
    %dma_start3A_10 = tpu.memref_slice %arg3[%dma_start3A_8, %dma_start3A_9] : memref<100000x1024xf32, #tpu.memory_space<hbm>> -> memref<100000x1024xf32, #tpu.memory_space<hbm>>
    %dma_start3A_11 = tpu.memref_slice %arg7[%dma_start3A] : memref<2x!tpu.dma_semaphore, #tpu.memory_space<semaphore_mem>> -> memref<1x!tpu.dma_semaphore, #tpu.memory_space<semaphore_mem>>
    %dma_start3A_12 = tpu.memref_squeeze %dma_start3A_11 : memref<1x!tpu.dma_semaphore, #tpu.memory_space<semaphore_mem>> -> memref<!tpu.dma_semaphore, #tpu.memory_space<semaphore_mem>>
    tpu.enqueue_indirect_dma source(%dma_start3A_10 : memref<100000x1024xf32, #tpu.memory_space<hbm>>) target(%dma_start3A_5 : memref<32x1024xf32, #tpu.memory_space<vmem>>) offsets(%dma_start3A_7 : memref<32xi32, #tpu.memory_space<vmem>>) semaphore(%dma_start3A_12 : memref<!tpu.dma_semaphore, #tpu.memory_space<semaphore_mem>>)
    %dma_start3A_13 = arith.constant 1 : i32
    %dma_start3A_14 = arith.constant 32 : i32
    %dma_start3A_15 = arith.constant 0 : i32
    %dma_start3A_16 = tpu.memref_slice %arg6[%dma_start3A_14, %dma_start3A_15] : memref<64x1024xf32, #tpu.memory_space<vmem>> -> memref<32x1024xf32, #tpu.memory_space<vmem>>
    %dma_start3A_17 = arith.constant 32 : i32
    %dma_start3A_18 = tpu.memref_slice %arg5[%dma_start3A_17] : memref<64xi32, #tpu.memory_space<vmem>> -> memref<32xi32, #tpu.memory_space<vmem>>
    %dma_start3A_19 = arith.constant 0 : i32
    %dma_start3A_20 = arith.constant 0 : i32
    %dma_start3A_21 = tpu.memref_slice %arg3[%dma_start3A_19, %dma_start3A_20] : memref<100000x1024xf32, #tpu.memory_space<hbm>> -> memref<100000x1024xf32, #tpu.memory_space<hbm>>
    %dma_start3A_22 = tpu.memref_slice %arg7[%dma_start3A_13] : memref<2x!tpu.dma_semaphore, #tpu.memory_space<semaphore_mem>> -> memref<1x!tpu.dma_semaphore, #tpu.memory_space<semaphore_mem>>
    %dma_start3A_23 = tpu.memref_squeeze %dma_start3A_22 : memref<1x!tpu.dma_semaphore, #tpu.memory_space<semaphore_mem>> -> memref<!tpu.dma_semaphore, #tpu.memory_space<semaphore_mem>>
    tpu.enqueue_indirect_dma source(%dma_start3A_21 : memref<100000x1024xf32, #tpu.memory_space<hbm>>) target(%dma_start3A_16 : memref<32x1024xf32, #tpu.memory_space<vmem>>) offsets(%dma_start3A_18 : memref<32xi32, #tpu.memory_space<vmem>>) semaphore(%dma_start3A_23 : memref<!tpu.dma_semaphore, #tpu.memory_space<semaphore_mem>>)
    %dma_wait3A = arith.constant 0 : i32
    %dma_wait3A_24 = arith.constant 0 : i32
    %dma_wait3A_25 = arith.constant 0 : i32
    %dma_wait3A_26 = tpu.memref_slice %arg6[%dma_wait3A_24, %dma_wait3A_25] : memref<64x1024xf32, #tpu.memory_space<vmem>> -> memref<32x1024xf32, #tpu.memory_space<vmem>>
    %dma_wait3A_27 = arith.constant 0 : i32
    %dma_wait3A_28 = tpu.memref_slice %arg5[%dma_wait3A_27] : memref<64xi32, #tpu.memory_space<vmem>> -> memref<32xi32, #tpu.memory_space<vmem>>
    %dma_wait3A_29 = arith.constant 0 : i32
    %dma_wait3A_30 = arith.constant 0 : i32
    %dma_wait3A_31 = tpu.memref_slice %arg3[%dma_wait3A_29, %dma_wait3A_30] : memref<100000x1024xf32, #tpu.memory_space<hbm>> -> memref<100000x1024xf32, #tpu.memory_space<hbm>>
    %dma_wait3A_32 = tpu.memref_slice %arg7[%dma_wait3A] : memref<2x!tpu.dma_semaphore, #tpu.memory_space<semaphore_mem>> -> memref<1x!tpu.dma_semaphore, #tpu.memory_space<semaphore_mem>>
    %dma_wait3A_33 = tpu.memref_squeeze %dma_wait3A_32 : memref<1x!tpu.dma_semaphore, #tpu.memory_space<semaphore_mem>> -> memref<!tpu.dma_semaphore, #tpu.memory_space<semaphore_mem>>
    tpu.wait_indirect_dma semaphore(%dma_wait3A_33 : memref<!tpu.dma_semaphore, #tpu.memory_space<semaphore_mem>>) src(%dma_wait3A_31 : memref<100000x1024xf32, #tpu.memory_space<hbm>>) dst(%dma_wait3A_26 : memref<32x1024xf32, #tpu.memory_space<vmem>>)
    %add3A_34 = arith.constant 0 : i32
    %add3A_35 = arith.addi %mul3A_2, %add3A_34 : i32
    %dma_start3A_36 = arith.constant 0 : i32
    %dma_start3A_37 = arith.constant 0 : i32
    %dma_start3A_38 = arith.constant 0 : i32
    %dma_start3A_39 = tpu.memref_slice %arg6[%dma_start3A_37, %dma_start3A_38] : memref<64x1024xf32, #tpu.memory_space<vmem>> -> memref<32x1024xf32, #tpu.memory_space<vmem>>
    %dma_start3A_40 = arith.constant 0 : i32
    %dma_start3A_41 = tpu.memref_slice %arg4[%add3A_35, %dma_start3A_40] : memref<2048x1024xf32, #tpu.memory_space<hbm>> -> memref<32x1024xf32, #tpu.memory_space<hbm>>
    %dma_start3A_42 = tpu.memref_slice %arg8[%dma_start3A_36] : memref<2x!tpu.dma_semaphore, #tpu.memory_space<semaphore_mem>> -> memref<1x!tpu.dma_semaphore, #tpu.memory_space<semaphore_mem>>
    %dma_start3A_43 = tpu.memref_squeeze %dma_start3A_42 : memref<1x!tpu.dma_semaphore, #tpu.memory_space<semaphore_mem>> -> memref<!tpu.dma_semaphore, #tpu.memory_space<semaphore_mem>>
    %dma_start3A_44 = arith.constant 0 : i32
    %dma_start3A_45 = tpu.memref_slice %arg4[%add3A_35, %dma_start3A_44] : memref<2048x1024xf32, #tpu.memory_space<hbm>> -> memref<32x1024xf32, #tpu.memory_space<hbm>>
    %dma_start3A_46 = arith.constant 0 : i32
    %dma_start3A_47 = arith.constant 0 : i32
    %dma_start3A_48 = tpu.memref_slice %arg6[%dma_start3A_46, %dma_start3A_47] : memref<64x1024xf32, #tpu.memory_space<vmem>> -> memref<32x1024xf32, #tpu.memory_space<vmem>>
    tpu.enqueue_dma source(%dma_start3A_48 : memref<32x1024xf32, #tpu.memory_space<vmem>>) target(%dma_start3A_45 : memref<32x1024xf32, #tpu.memory_space<hbm>>) target_semaphore(%dma_start3A_43 : memref<!tpu.dma_semaphore, #tpu.memory_space<semaphore_mem>>)
    %dma_wait3A_49 = arith.constant 1 : i32
    %dma_wait3A_50 = arith.constant 32 : i32
    %dma_wait3A_51 = arith.constant 0 : i32
    %dma_wait3A_52 = tpu.memref_slice %arg6[%dma_wait3A_50, %dma_wait3A_51] : memref<64x1024xf32, #tpu.memory_space<vmem>> -> memref<32x1024xf32, #tpu.memory_space<vmem>>
    %dma_wait3A_53 = arith.constant 32 : i32
    %dma_wait3A_54 = tpu.memref_slice %arg5[%dma_wait3A_53] : memref<64xi32, #tpu.memory_space<vmem>> -> memref<32xi32, #tpu.memory_space<vmem>>
    %dma_wait3A_55 = arith.constant 0 : i32
    %dma_wait3A_56 = arith.constant 0 : i32
    %dma_wait3A_57 = tpu.memref_slice %arg3[%dma_wait3A_55, %dma_wait3A_56] : memref<100000x1024xf32, #tpu.memory_space<hbm>> -> memref<100000x1024xf32, #tpu.memory_space<hbm>>
    %dma_wait3A_58 = tpu.memref_slice %arg7[%dma_wait3A_49] : memref<2x!tpu.dma_semaphore, #tpu.memory_space<semaphore_mem>> -> memref<1x!tpu.dma_semaphore, #tpu.memory_space<semaphore_mem>>
    %dma_wait3A_59 = tpu.memref_squeeze %dma_wait3A_58 : memref<1x!tpu.dma_semaphore, #tpu.memory_space<semaphore_mem>> -> memref<!tpu.dma_semaphore, #tpu.memory_space<semaphore_mem>>
    tpu.wait_indirect_dma semaphore(%dma_wait3A_59 : memref<!tpu.dma_semaphore, #tpu.memory_space<semaphore_mem>>) src(%dma_wait3A_57 : memref<100000x1024xf32, #tpu.memory_space<hbm>>) dst(%dma_wait3A_52 : memref<32x1024xf32, #tpu.memory_space<vmem>>)
    %add3A_60 = arith.constant 32 : i32
    %add3A_61 = arith.addi %mul3A_2, %add3A_60 : i32
    %dma_start3A_62 = arith.constant 1 : i32
    %dma_start3A_63 = arith.constant 32 : i32
    %dma_start3A_64 = arith.constant 0 : i32
    %dma_start3A_65 = tpu.memref_slice %arg6[%dma_start3A_63, %dma_start3A_64] : memref<64x1024xf32, #tpu.memory_space<vmem>> -> memref<32x1024xf32, #tpu.memory_space<vmem>>
    %dma_start3A_66 = arith.constant 0 : i32
    %dma_start3A_67 = tpu.memref_slice %arg4[%add3A_61, %dma_start3A_66] : memref<2048x1024xf32, #tpu.memory_space<hbm>> -> memref<32x1024xf32, #tpu.memory_space<hbm>>
    %dma_start3A_68 = tpu.memref_slice %arg8[%dma_start3A_62] : memref<2x!tpu.dma_semaphore, #tpu.memory_space<semaphore_mem>> -> memref<1x!tpu.dma_semaphore, #tpu.memory_space<semaphore_mem>>
    %dma_start3A_69 = tpu.memref_squeeze %dma_start3A_68 : memref<1x!tpu.dma_semaphore, #tpu.memory_space<semaphore_mem>> -> memref<!tpu.dma_semaphore, #tpu.memory_space<semaphore_mem>>
    %dma_start3A_70 = arith.constant 0 : i32
    %dma_start3A_71 = tpu.memref_slice %arg4[%add3A_61, %dma_start3A_70] : memref<2048x1024xf32, #tpu.memory_space<hbm>> -> memref<32x1024xf32, #tpu.memory_space<hbm>>
    %dma_start3A_72 = arith.constant 32 : i32
    %dma_start3A_73 = arith.constant 0 : i32
    %dma_start3A_74 = tpu.memref_slice %arg6[%dma_start3A_72, %dma_start3A_73] : memref<64x1024xf32, #tpu.memory_space<vmem>> -> memref<32x1024xf32, #tpu.memory_space<vmem>>
    tpu.enqueue_dma source(%dma_start3A_74 : memref<32x1024xf32, #tpu.memory_space<vmem>>) target(%dma_start3A_71 : memref<32x1024xf32, #tpu.memory_space<hbm>>) target_semaphore(%dma_start3A_69 : memref<!tpu.dma_semaphore, #tpu.memory_space<semaphore_mem>>)
    %dma_wait3A_75 = arith.constant 0 : i32
    %dma_wait3A_76 = arith.constant 0 : i32
    %dma_wait3A_77 = arith.constant 0 : i32
    %dma_wait3A_78 = tpu.memref_slice %arg6[%dma_wait3A_76, %dma_wait3A_77] : memref<64x1024xf32, #tpu.memory_space<vmem>> -> memref<32x1024xf32, #tpu.memory_space<vmem>>
    %dma_wait3A_79 = arith.constant 0 : i32
    %dma_wait3A_80 = tpu.memref_slice %arg4[%add3A_35, %dma_wait3A_79] : memref<2048x1024xf32, #tpu.memory_space<hbm>> -> memref<32x1024xf32, #tpu.memory_space<hbm>>
    %dma_wait3A_81 = tpu.memref_slice %arg8[%dma_wait3A_75] : memref<2x!tpu.dma_semaphore, #tpu.memory_space<semaphore_mem>> -> memref<1x!tpu.dma_semaphore, #tpu.memory_space<semaphore_mem>>
    %dma_wait3A_82 = tpu.memref_squeeze %dma_wait3A_81 : memref<1x!tpu.dma_semaphore, #tpu.memory_space<semaphore_mem>> -> memref<!tpu.dma_semaphore, #tpu.memory_space<semaphore_mem>>
    %dma_wait3A_83 = arith.constant 0 : i32
    %dma_wait3A_84 = tpu.memref_slice %arg4[%add3A_35, %dma_wait3A_83] : memref<2048x1024xf32, #tpu.memory_space<hbm>> -> memref<32x1024xf32, #tpu.memory_space<hbm>>
    %dma_wait3A_85 = arith.constant 0 : i32
    %dma_wait3A_86 = arith.constant 0 : i32
    %dma_wait3A_87 = tpu.memref_slice %arg6[%dma_wait3A_85, %dma_wait3A_86] : memref<64x1024xf32, #tpu.memory_space<vmem>> -> memref<32x1024xf32, #tpu.memory_space<vmem>>
    tpu.wait_dma2 semaphore(%dma_wait3A_82 : memref<!tpu.dma_semaphore, #tpu.memory_space<semaphore_mem>>) src(%dma_wait3A_87 : memref<32x1024xf32, #tpu.memory_space<vmem>>) dst(%dma_wait3A_84 : memref<32x1024xf32, #tpu.memory_space<hbm>>)
    %dma_wait3A_88 = arith.constant 1 : i32
    %dma_wait3A_89 = arith.constant 32 : i32
    %dma_wait3A_90 = arith.constant 0 : i32
    %dma_wait3A_91 = tpu.memref_slice %arg6[%dma_wait3A_89, %dma_wait3A_90] : memref<64x1024xf32, #tpu.memory_space<vmem>> -> memref<32x1024xf32, #tpu.memory_space<vmem>>
    %dma_wait3A_92 = arith.constant 0 : i32
    %dma_wait3A_93 = tpu.memref_slice %arg4[%add3A_61, %dma_wait3A_92] : memref<2048x1024xf32, #tpu.memory_space<hbm>> -> memref<32x1024xf32, #tpu.memory_space<hbm>>
    %dma_wait3A_94 = tpu.memref_slice %arg8[%dma_wait3A_88] : memref<2x!tpu.dma_semaphore, #tpu.memory_space<semaphore_mem>> -> memref<1x!tpu.dma_semaphore, #tpu.memory_space<semaphore_mem>>
    %dma_wait3A_95 = tpu.memref_squeeze %dma_wait3A_94 : memref<1x!tpu.dma_semaphore, #tpu.memory_space<semaphore_mem>> -> memref<!tpu.dma_semaphore, #tpu.memory_space<semaphore_mem>>
    %dma_wait3A_96 = arith.constant 0 : i32
    %dma_wait3A_97 = tpu.memref_slice %arg4[%add3A_61, %dma_wait3A_96] : memref<2048x1024xf32, #tpu.memory_space<hbm>> -> memref<32x1024xf32, #tpu.memory_space<hbm>>
    %dma_wait3A_98 = arith.constant 32 : i32
    %dma_wait3A_99 = arith.constant 0 : i32
    %dma_wait3A_100 = tpu.memref_slice %arg6[%dma_wait3A_98, %dma_wait3A_99] : memref<64x1024xf32, #tpu.memory_space<vmem>> -> memref<32x1024xf32, #tpu.memory_space<vmem>>
    tpu.wait_dma2 semaphore(%dma_wait3A_95 : memref<!tpu.dma_semaphore, #tpu.memory_space<semaphore_mem>>) src(%dma_wait3A_100 : memref<32x1024xf32, #tpu.memory_space<vmem>>) dst(%dma_wait3A_97 : memref<32x1024xf32, #tpu.memory_space<hbm>>)
    return
  }
}

#map = affine_map<(d0, d1) -> (0)>
#map1 = affine_map<(d0, d1) -> (0, 0)>
module attributes {stable_mosaic.version = 14 : i64} {
  func.func @_sc_gather(%arg0: i32, %arg1: i32, %arg2: memref<2048xi32, #tpu.memory_space<hbm>>, %arg3: memref<100000x1024xf32, #tpu.memory_space<hbm>>, %arg4: memref<2048x1024xf32, #tpu.memory_space<hbm>>, %arg5: memref<64xi32, #tpu.memory_space<vmem>>, %arg6: memref<64x1024xf32, #tpu.memory_space<vmem>>, %arg7: memref<2x!tpu.dma_semaphore, #tpu.memory_space<semaphore_mem>>, %arg8: memref<2x!tpu.dma_semaphore, #tpu.memory_space<semaphore_mem>>) attributes {dimension_semantics = [#tpu.dimension_semantics<core_parallel>, #tpu.dimension_semantics<subcore_parallel>], iteration_bounds = array<i64: 2, 16>, scalar_prefetch = 0 : i64, scratch_operands = 4 : i64, tpu.core_type = #tpu.core_type<sc_vector_subcore>, window_params = [{transform_indices = #map}, {transform_indices = #map1}, {transform_indices = #map1}]} {
    %mul3A = arith.constant 2 : i32
    %mul3A_0 = arith.muli %arg1, %mul3A : i32
    %add3A = arith.addi %mul3A_0, %arg0 : i32
    %mul3A_1 = arith.constant 64 : i32
    %mul3A_2 = arith.muli %add3A, %mul3A_1 : i32
    "tpu.region"() ({
      %run_scoped3A = tpu.sem_alloc : memref<!tpu.dma_semaphore, #tpu.memory_space<semaphore_mem>>
      %dma_start3A_101 = tpu.memref_slice %arg2[%mul3A_2] : memref<2048xi32, #tpu.memory_space<hbm>> -> memref<64xi32, #tpu.memory_space<hbm>>
      %dma_start3A_102 = tpu.memref_slice %arg2[%mul3A_2] : memref<2048xi32, #tpu.memory_space<hbm>> -> memref<64xi32, #tpu.memory_space<hbm>>
      tpu.enqueue_dma source(%dma_start3A_102 : memref<64xi32, #tpu.memory_space<hbm>>) target(%arg5 : memref<64xi32, #tpu.memory_space<vmem>>) target_semaphore(%run_scoped3A : memref<!tpu.dma_semaphore, #tpu.memory_space<semaphore_mem>>)
      %dma_wait3A_103 = tpu.memref_slice %arg2[%mul3A_2] : memref<2048xi32, #tpu.memory_space<hbm>> -> memref<64xi32, #tpu.memory_space<hbm>>
      %dma_wait3A_104 = tpu.memref_slice %arg2[%mul3A_2] : memref<2048xi32, #tpu.memory_space<hbm>> -> memref<64xi32, #tpu.memory_space<hbm>>
      tpu.wait_dma2 semaphore(%run_scoped3A : memref<!tpu.dma_semaphore, #tpu.memory_space<semaphore_mem>>) src(%dma_wait3A_104 : memref<64xi32, #tpu.memory_space<hbm>>) dst(%arg5 : memref<64xi32, #tpu.memory_space<vmem>>)
      tpu.yield
    }) : () -> ()
    %dma_start3A = arith.constant 0 : i32
    %dma_start3A_3 = arith.constant 0 : i32
    %dma_start3A_4 = arith.constant 0 : i32
    %dma_start3A_5 = tpu.memref_slice %arg6[%dma_start3A_3, %dma_start3A_4] : memref<64x1024xf32, #tpu.memory_space<vmem>> -> memref<32x1024xf32, #tpu.memory_space<vmem>>
    %dma_start3A_6 = arith.constant 0 : i32
    %dma_start3A_7 = tpu.memref_slice %arg5[%dma_start3A_6] : memref<64xi32, #tpu.memory_space<vmem>> -> memref<32xi32, #tpu.memory_space<vmem>>
    %dma_start3A_8 = arith.constant 0 : i32
    %dma_start3A_9 = arith.constant 0 : i32
    %dma_start3A_10 = tpu.memref_slice %arg3[%dma_start3A_8, %dma_start3A_9] : memref<100000x1024xf32, #tpu.memory_space<hbm>> -> memref<100000x1024xf32, #tpu.memory_space<hbm>>
    %dma_start3A_11 = tpu.memref_slice %arg7[%dma_start3A] : memref<2x!tpu.dma_semaphore, #tpu.memory_space<semaphore_mem>> -> memref<1x!tpu.dma_semaphore, #tpu.memory_space<semaphore_mem>>
    %dma_start3A_12 = tpu.memref_squeeze %dma_start3A_11 : memref<1x!tpu.dma_semaphore, #tpu.memory_space<semaphore_mem>> -> memref<!tpu.dma_semaphore, #tpu.memory_space<semaphore_mem>>
    tpu.enqueue_indirect_dma source(%dma_start3A_10 : memref<100000x1024xf32, #tpu.memory_space<hbm>>) target(%dma_start3A_5 : memref<32x1024xf32, #tpu.memory_space<vmem>>) offsets(%dma_start3A_7 : memref<32xi32, #tpu.memory_space<vmem>>) semaphore(%dma_start3A_12 : memref<!tpu.dma_semaphore, #tpu.memory_space<semaphore_mem>>)
    %dma_start3A_13 = arith.constant 1 : i32
    %dma_start3A_14 = arith.constant 32 : i32
    %dma_start3A_15 = arith.constant 0 : i32
    %dma_start3A_16 = tpu.memref_slice %arg6[%dma_start3A_14, %dma_start3A_15] : memref<64x1024xf32, #tpu.memory_space<vmem>> -> memref<32x1024xf32, #tpu.memory_space<vmem>>
    %dma_start3A_17 = arith.constant 32 : i32
    %dma_start3A_18 = tpu.memref_slice %arg5[%dma_start3A_17] : memref<64xi32, #tpu.memory_space<vmem>> -> memref<32xi32, #tpu.memory_space<vmem>>
    %dma_start3A_19 = arith.constant 0 : i32
    %dma_start3A_20 = arith.constant 0 : i32
    %dma_start3A_21 = tpu.memref_slice %arg3[%dma_start3A_19, %dma_start3A_20] : memref<100000x1024xf32, #tpu.memory_space<hbm>> -> memref<100000x1024xf32, #tpu.memory_space<hbm>>
    %dma_start3A_22 = tpu.memref_slice %arg7[%dma_start3A_13] : memref<2x!tpu.dma_semaphore, #tpu.memory_space<semaphore_mem>> -> memref<1x!tpu.dma_semaphore, #tpu.memory_space<semaphore_mem>>
    %dma_start3A_23 = tpu.memref_squeeze %dma_start3A_22 : memref<1x!tpu.dma_semaphore, #tpu.memory_space<semaphore_mem>> -> memref<!tpu.dma_semaphore, #tpu.memory_space<semaphore_mem>>
    tpu.enqueue_indirect_dma source(%dma_start3A_21 : memref<100000x1024xf32, #tpu.memory_space<hbm>>) target(%dma_start3A_16 : memref<32x1024xf32, #tpu.memory_space<vmem>>) offsets(%dma_start3A_18 : memref<32xi32, #tpu.memory_space<vmem>>) semaphore(%dma_start3A_23 : memref<!tpu.dma_semaphore, #tpu.memory_space<semaphore_mem>>)
    %dma_wait3A = arith.constant 0 : i32
    %dma_wait3A_24 = arith.constant 0 : i32
    %dma_wait3A_25 = arith.constant 0 : i32
    %dma_wait3A_26 = tpu.memref_slice %arg6[%dma_wait3A_24, %dma_wait3A_25] : memref<64x1024xf32, #tpu.memory_space<vmem>> -> memref<32x1024xf32, #tpu.memory_space<vmem>>
    %dma_wait3A_27 = arith.constant 0 : i32
    %dma_wait3A_28 = tpu.memref_slice %arg5[%dma_wait3A_27] : memref<64xi32, #tpu.memory_space<vmem>> -> memref<32xi32, #tpu.memory_space<vmem>>
    %dma_wait3A_29 = arith.constant 0 : i32
    %dma_wait3A_30 = arith.constant 0 : i32
    %dma_wait3A_31 = tpu.memref_slice %arg3[%dma_wait3A_29, %dma_wait3A_30] : memref<100000x1024xf32, #tpu.memory_space<hbm>> -> memref<100000x1024xf32, #tpu.memory_space<hbm>>
    %dma_wait3A_32 = tpu.memref_slice %arg7[%dma_wait3A] : memref<2x!tpu.dma_semaphore, #tpu.memory_space<semaphore_mem>> -> memref<1x!tpu.dma_semaphore, #tpu.memory_space<semaphore_mem>>
    %dma_wait3A_33 = tpu.memref_squeeze %dma_wait3A_32 : memref<1x!tpu.dma_semaphore, #tpu.memory_space<semaphore_mem>> -> memref<!tpu.dma_semaphore, #tpu.memory_space<semaphore_mem>>
    tpu.wait_indirect_dma semaphore(%dma_wait3A_33 : memref<!tpu.dma_semaphore, #tpu.memory_space<semaphore_mem>>) src(%dma_wait3A_31 : memref<100000x1024xf32, #tpu.memory_space<hbm>>) dst(%dma_wait3A_26 : memref<32x1024xf32, #tpu.memory_space<vmem>>)
    %add3A_34 = arith.constant 0 : i32
    %add3A_35 = arith.addi %mul3A_2, %add3A_34 : i32
    %dma_start3A_36 = arith.constant 0 : i32
    %dma_start3A_37 = arith.constant 0 : i32
    %dma_start3A_38 = arith.constant 0 : i32
    %dma_start3A_39 = tpu.memref_slice %arg6[%dma_start3A_37, %dma_start3A_38] : memref<64x1024xf32, #tpu.memory_space<vmem>> -> memref<32x1024xf32, #tpu.memory_space<vmem>>
    %dma_start3A_40 = arith.constant 0 : i32
    %dma_start3A_41 = tpu.memref_slice %arg4[%add3A_35, %dma_start3A_40] : memref<2048x1024xf32, #tpu.memory_space<hbm>> -> memref<32x1024xf32, #tpu.memory_space<hbm>>
    %dma_start3A_42 = tpu.memref_slice %arg8[%dma_start3A_36] : memref<2x!tpu.dma_semaphore, #tpu.memory_space<semaphore_mem>> -> memref<1x!tpu.dma_semaphore, #tpu.memory_space<semaphore_mem>>
    %dma_start3A_43 = tpu.memref_squeeze %dma_start3A_42 : memref<1x!tpu.dma_semaphore, #tpu.memory_space<semaphore_mem>> -> memref<!tpu.dma_semaphore, #tpu.memory_space<semaphore_mem>>
    %dma_start3A_44 = arith.constant 0 : i32
    %dma_start3A_45 = tpu.memref_slice %arg4[%add3A_35, %dma_start3A_44] : memref<2048x1024xf32, #tpu.memory_space<hbm>> -> memref<32x1024xf32, #tpu.memory_space<hbm>>
    %dma_start3A_46 = arith.constant 0 : i32
    %dma_start3A_47 = arith.constant 0 : i32
    %dma_start3A_48 = tpu.memref_slice %arg6[%dma_start3A_46, %dma_start3A_47] : memref<64x1024xf32, #tpu.memory_space<vmem>> -> memref<32x1024xf32, #tpu.memory_space<vmem>>
    tpu.enqueue_dma source(%dma_start3A_48 : memref<32x1024xf32, #tpu.memory_space<vmem>>) target(%dma_start3A_45 : memref<32x1024xf32, #tpu.memory_space<hbm>>) target_semaphore(%dma_start3A_43 : memref<!tpu.dma_semaphore, #tpu.memory_space<semaphore_mem>>)
    %dma_wait3A_49 = arith.constant 1 : i32
    %dma_wait3A_50 = arith.constant 32 : i32
    %dma_wait3A_51 = arith.constant 0 : i32
    %dma_wait3A_52 = tpu.memref_slice %arg6[%dma_wait3A_50, %dma_wait3A_51] : memref<64x1024xf32, #tpu.memory_space<vmem>> -> memref<32x1024xf32, #tpu.memory_space<vmem>>
    %dma_wait3A_53 = arith.constant 32 : i32
    %dma_wait3A_54 = tpu.memref_slice %arg5[%dma_wait3A_53] : memref<64xi32, #tpu.memory_space<vmem>> -> memref<32xi32, #tpu.memory_space<vmem>>
    %dma_wait3A_55 = arith.constant 0 : i32
    %dma_wait3A_56 = arith.constant 0 : i32
    %dma_wait3A_57 = tpu.memref_slice %arg3[%dma_wait3A_55, %dma_wait3A_56] : memref<100000x1024xf32, #tpu.memory_space<hbm>> -> memref<100000x1024xf32, #tpu.memory_space<hbm>>
    %dma_wait3A_58 = tpu.memref_slice %arg7[%dma_wait3A_49] : memref<2x!tpu.dma_semaphore, #tpu.memory_space<semaphore_mem>> -> memref<1x!tpu.dma_semaphore, #tpu.memory_space<semaphore_mem>>
    %dma_wait3A_59 = tpu.memref_squeeze %dma_wait3A_58 : memref<1x!tpu.dma_semaphore, #tpu.memory_space<semaphore_mem>> -> memref<!tpu.dma_semaphore, #tpu.memory_space<semaphore_mem>>
    tpu.wait_indirect_dma semaphore(%dma_wait3A_59 : memref<!tpu.dma_semaphore, #tpu.memory_space<semaphore_mem>>) src(%dma_wait3A_57 : memref<100000x1024xf32, #tpu.memory_space<hbm>>) dst(%dma_wait3A_52 : memref<32x1024xf32, #tpu.memory_space<vmem>>)
    %add3A_60 = arith.constant 32 : i32
    %add3A_61 = arith.addi %mul3A_2, %add3A_60 : i32
    %dma_start3A_62 = arith.constant 1 : i32
    %dma_start3A_63 = arith.constant 32 : i32
    %dma_start3A_64 = arith.constant 0 : i32
    %dma_start3A_65 = tpu.memref_slice %arg6[%dma_start3A_63, %dma_start3A_64] : memref<64x1024xf32, #tpu.memory_space<vmem>> -> memref<32x1024xf32, #tpu.memory_space<vmem>>
    %dma_start3A_66 = arith.constant 0 : i32
    %dma_start3A_67 = tpu.memref_slice %arg4[%add3A_61, %dma_start3A_66] : memref<2048x1024xf32, #tpu.memory_space<hbm>> -> memref<32x1024xf32, #tpu.memory_space<hbm>>
    %dma_start3A_68 = tpu.memref_slice %arg8[%dma_start3A_62] : memref<2x!tpu.dma_semaphore, #tpu.memory_space<semaphore_mem>> -> memref<1x!tpu.dma_semaphore, #tpu.memory_space<semaphore_mem>>
    %dma_start3A_69 = tpu.memref_squeeze %dma_start3A_68 : memref<1x!tpu.dma_semaphore, #tpu.memory_space<semaphore_mem>> -> memref<!tpu.dma_semaphore, #tpu.memory_space<semaphore_mem>>
    %dma_start3A_70 = arith.constant 0 : i32
    %dma_start3A_71 = tpu.memref_slice %arg4[%add3A_61, %dma_start3A_70] : memref<2048x1024xf32, #tpu.memory_space<hbm>> -> memref<32x1024xf32, #tpu.memory_space<hbm>>
    %dma_start3A_72 = arith.constant 32 : i32
    %dma_start3A_73 = arith.constant 0 : i32
    %dma_start3A_74 = tpu.memref_slice %arg6[%dma_start3A_72, %dma_start3A_73] : memref<64x1024xf32, #tpu.memory_space<vmem>> -> memref<32x1024xf32, #tpu.memory_space<vmem>>
    tpu.enqueue_dma source(%dma_start3A_74 : memref<32x1024xf32, #tpu.memory_space<vmem>>) target(%dma_start3A_71 : memref<32x1024xf32, #tpu.memory_space<hbm>>) target_semaphore(%dma_start3A_69 : memref<!tpu.dma_semaphore, #tpu.memory_space<semaphore_mem>>)
    %dma_wait3A_75 = arith.constant 0 : i32
    %dma_wait3A_76 = arith.constant 0 : i32
    %dma_wait3A_77 = arith.constant 0 : i32
    %dma_wait3A_78 = tpu.memref_slice %arg6[%dma_wait3A_76, %dma_wait3A_77] : memref<64x1024xf32, #tpu.memory_space<vmem>> -> memref<32x1024xf32, #tpu.memory_space<vmem>>
    %dma_wait3A_79 = arith.constant 0 : i32
    %dma_wait3A_80 = tpu.memref_slice %arg4[%add3A_35, %dma_wait3A_79] : memref<2048x1024xf32, #tpu.memory_space<hbm>> -> memref<32x1024xf32, #tpu.memory_space<hbm>>
    %dma_wait3A_81 = tpu.memref_slice %arg8[%dma_wait3A_75] : memref<2x!tpu.dma_semaphore, #tpu.memory_space<semaphore_mem>> -> memref<1x!tpu.dma_semaphore, #tpu.memory_space<semaphore_mem>>
    %dma_wait3A_82 = tpu.memref_squeeze %dma_wait3A_81 : memref<1x!tpu.dma_semaphore, #tpu.memory_space<semaphore_mem>> -> memref<!tpu.dma_semaphore, #tpu.memory_space<semaphore_mem>>
    %dma_wait3A_83 = arith.constant 0 : i32
    %dma_wait3A_84 = tpu.memref_slice %arg4[%add3A_35, %dma_wait3A_83] : memref<2048x1024xf32, #tpu.memory_space<hbm>> -> memref<32x1024xf32, #tpu.memory_space<hbm>>
    %dma_wait3A_85 = arith.constant 0 : i32
    %dma_wait3A_86 = arith.constant 0 : i32
    %dma_wait3A_87 = tpu.memref_slice %arg6[%dma_wait3A_85, %dma_wait3A_86] : memref<64x1024xf32, #tpu.memory_space<vmem>> -> memref<32x1024xf32, #tpu.memory_space<vmem>>
    tpu.wait_dma2 semaphore(%dma_wait3A_82 : memref<!tpu.dma_semaphore, #tpu.memory_space<semaphore_mem>>) src(%dma_wait3A_87 : memref<32x1024xf32, #tpu.memory_space<vmem>>) dst(%dma_wait3A_84 : memref<32x1024xf32, #tpu.memory_space<hbm>>)
    %dma_wait3A_88 = arith.constant 1 : i32
    %dma_wait3A_89 = arith.constant 32 : i32
    %dma_wait3A_90 = arith.constant 0 : i32
    %dma_wait3A_91 = tpu.memref_slice %arg6[%dma_wait3A_89, %dma_wait3A_90] : memref<64x1024xf32, #tpu.memory_space<vmem>> -> memref<32x1024xf32, #tpu.memory_space<vmem>>
    %dma_wait3A_92 = arith.constant 0 : i32
    %dma_wait3A_93 = tpu.memref_slice %arg4[%add3A_61, %dma_wait3A_92] : memref<2048x1024xf32, #tpu.memory_space<hbm>> -> memref<32x1024xf32, #tpu.memory_space<hbm>>
    %dma_wait3A_94 = tpu.memref_slice %arg8[%dma_wait3A_88] : memref<2x!tpu.dma_semaphore, #tpu.memory_space<semaphore_mem>> -> memref<1x!tpu.dma_semaphore, #tpu.memory_space<semaphore_mem>>
    %dma_wait3A_95 = tpu.memref_squeeze %dma_wait3A_94 : memref<1x!tpu.dma_semaphore, #tpu.memory_space<semaphore_mem>> -> memref<!tpu.dma_semaphore, #tpu.memory_space<semaphore_mem>>
    %dma_wait3A_96 = arith.constant 0 : i32
    %dma_wait3A_97 = tpu.memref_slice %arg4[%add3A_61, %dma_wait3A_96] : memref<2048x1024xf32, #tpu.memory_space<hbm>> -> memref<32x1024xf32, #tpu.memory_space<hbm>>
    %dma_wait3A_98 = arith.constant 32 : i32
    %dma_wait3A_99 = arith.constant 0 : i32
    %dma_wait3A_100 = tpu.memref_slice %arg6[%dma_wait3A_98, %dma_wait3A_99] : memref<64x1024xf32, #tpu.memory_space<vmem>> -> memref<32x1024xf32, #tpu.memory_space<vmem>>
    tpu.wait_dma2 semaphore(%dma_wait3A_95 : memref<!tpu.dma_semaphore, #tpu.memory_space<semaphore_mem>>) src(%dma_wait3A_100 : memref<32x1024xf32, #tpu.memory_space<vmem>>) dst(%dma_wait3A_97 : memref<32x1024xf32, #tpu.memory_space<hbm>>)
    return
  }
}

#map = affine_map<(d0, d1) -> (0)>
#map1 = affine_map<(d0, d1) -> (0, 0)>
module attributes {stable_mosaic.version = 14 : i64} {
  func.func @_sc_gather(%arg0: i32, %arg1: i32, %arg2: memref<2048xi32, #tpu.memory_space<hbm>>, %arg3: memref<100000x1024xf32, #tpu.memory_space<hbm>>, %arg4: memref<2048x1024xf32, #tpu.memory_space<hbm>>, %arg5: memref<64xi32, #tpu.memory_space<vmem>>, %arg6: memref<64x1024xf32, #tpu.memory_space<vmem>>, %arg7: memref<2x!tpu.dma_semaphore, #tpu.memory_space<semaphore_mem>>, %arg8: memref<2x!tpu.dma_semaphore, #tpu.memory_space<semaphore_mem>>) attributes {dimension_semantics = [#tpu.dimension_semantics<core_parallel>, #tpu.dimension_semantics<subcore_parallel>], iteration_bounds = array<i64: 2, 16>, scalar_prefetch = 0 : i64, scratch_operands = 4 : i64, tpu.core_type = #tpu.core_type<sc_vector_subcore>, window_params = [{transform_indices = #map}, {transform_indices = #map1}, {transform_indices = #map1}]} {
    %mul3A = arith.constant 2 : i32
    %mul3A_0 = arith.muli %arg1, %mul3A : i32
    %add3A = arith.addi %mul3A_0, %arg0 : i32
    %mul3A_1 = arith.constant 64 : i32
    %mul3A_2 = arith.muli %add3A, %mul3A_1 : i32
    "tpu.region"() ({
      %run_scoped3A = tpu.sem_alloc : memref<!tpu.dma_semaphore, #tpu.memory_space<semaphore_mem>>
      %dma_start3A_101 = tpu.memref_slice %arg2[%mul3A_2] : memref<2048xi32, #tpu.memory_space<hbm>> -> memref<64xi32, #tpu.memory_space<hbm>>
      %dma_start3A_102 = tpu.memref_slice %arg2[%mul3A_2] : memref<2048xi32, #tpu.memory_space<hbm>> -> memref<64xi32, #tpu.memory_space<hbm>>
      tpu.enqueue_dma source(%dma_start3A_102 : memref<64xi32, #tpu.memory_space<hbm>>) target(%arg5 : memref<64xi32, #tpu.memory_space<vmem>>) target_semaphore(%run_scoped3A : memref<!tpu.dma_semaphore, #tpu.memory_space<semaphore_mem>>)
      %dma_wait3A_103 = tpu.memref_slice %arg2[%mul3A_2] : memref<2048xi32, #tpu.memory_space<hbm>> -> memref<64xi32, #tpu.memory_space<hbm>>
      %dma_wait3A_104 = tpu.memref_slice %arg2[%mul3A_2] : memref<2048xi32, #tpu.memory_space<hbm>> -> memref<64xi32, #tpu.memory_space<hbm>>
      tpu.wait_dma2 semaphore(%run_scoped3A : memref<!tpu.dma_semaphore, #tpu.memory_space<semaphore_mem>>) src(%dma_wait3A_104 : memref<64xi32, #tpu.memory_space<hbm>>) dst(%arg5 : memref<64xi32, #tpu.memory_space<vmem>>)
      tpu.yield
    }) : () -> ()
    %dma_start3A = arith.constant 0 : i32
    %dma_start3A_3 = arith.constant 0 : i32
    %dma_start3A_4 = arith.constant 0 : i32
    %dma_start3A_5 = tpu.memref_slice %arg6[%dma_start3A_3, %dma_start3A_4] : memref<64x1024xf32, #tpu.memory_space<vmem>> -> memref<32x1024xf32, #tpu.memory_space<vmem>>
    %dma_start3A_6 = arith.constant 0 : i32
    %dma_start3A_7 = tpu.memref_slice %arg5[%dma_start3A_6] : memref<64xi32, #tpu.memory_space<vmem>> -> memref<32xi32, #tpu.memory_space<vmem>>
    %dma_start3A_8 = arith.constant 0 : i32
    %dma_start3A_9 = arith.constant 0 : i32
    %dma_start3A_10 = tpu.memref_slice %arg3[%dma_start3A_8, %dma_start3A_9] : memref<100000x1024xf32, #tpu.memory_space<hbm>> -> memref<100000x1024xf32, #tpu.memory_space<hbm>>
    %dma_start3A_11 = tpu.memref_slice %arg7[%dma_start3A] : memref<2x!tpu.dma_semaphore, #tpu.memory_space<semaphore_mem>> -> memref<1x!tpu.dma_semaphore, #tpu.memory_space<semaphore_mem>>
    %dma_start3A_12 = tpu.memref_squeeze %dma_start3A_11 : memref<1x!tpu.dma_semaphore, #tpu.memory_space<semaphore_mem>> -> memref<!tpu.dma_semaphore, #tpu.memory_space<semaphore_mem>>
    tpu.enqueue_indirect_dma source(%dma_start3A_10 : memref<100000x1024xf32, #tpu.memory_space<hbm>>) target(%dma_start3A_5 : memref<32x1024xf32, #tpu.memory_space<vmem>>) offsets(%dma_start3A_7 : memref<32xi32, #tpu.memory_space<vmem>>) semaphore(%dma_start3A_12 : memref<!tpu.dma_semaphore, #tpu.memory_space<semaphore_mem>>)
    %dma_start3A_13 = arith.constant 1 : i32
    %dma_start3A_14 = arith.constant 32 : i32
    %dma_start3A_15 = arith.constant 0 : i32
    %dma_start3A_16 = tpu.memref_slice %arg6[%dma_start3A_14, %dma_start3A_15] : memref<64x1024xf32, #tpu.memory_space<vmem>> -> memref<32x1024xf32, #tpu.memory_space<vmem>>
    %dma_start3A_17 = arith.constant 32 : i32
    %dma_start3A_18 = tpu.memref_slice %arg5[%dma_start3A_17] : memref<64xi32, #tpu.memory_space<vmem>> -> memref<32xi32, #tpu.memory_space<vmem>>
    %dma_start3A_19 = arith.constant 0 : i32
    %dma_start3A_20 = arith.constant 0 : i32
    %dma_start3A_21 = tpu.memref_slice %arg3[%dma_start3A_19, %dma_start3A_20] : memref<100000x1024xf32, #tpu.memory_space<hbm>> -> memref<100000x1024xf32, #tpu.memory_space<hbm>>
    %dma_start3A_22 = tpu.memref_slice %arg7[%dma_start3A_13] : memref<2x!tpu.dma_semaphore, #tpu.memory_space<semaphore_mem>> -> memref<1x!tpu.dma_semaphore, #tpu.memory_space<semaphore_mem>>
    %dma_start3A_23 = tpu.memref_squeeze %dma_start3A_22 : memref<1x!tpu.dma_semaphore, #tpu.memory_space<semaphore_mem>> -> memref<!tpu.dma_semaphore, #tpu.memory_space<semaphore_mem>>
    tpu.enqueue_indirect_dma source(%dma_start3A_21 : memref<100000x1024xf32, #tpu.memory_space<hbm>>) target(%dma_start3A_16 : memref<32x1024xf32, #tpu.memory_space<vmem>>) offsets(%dma_start3A_18 : memref<32xi32, #tpu.memory_space<vmem>>) semaphore(%dma_start3A_23 : memref<!tpu.dma_semaphore, #tpu.memory_space<semaphore_mem>>)
    %dma_wait3A = arith.constant 0 : i32
    %dma_wait3A_24 = arith.constant 0 : i32
    %dma_wait3A_25 = arith.constant 0 : i32
    %dma_wait3A_26 = tpu.memref_slice %arg6[%dma_wait3A_24, %dma_wait3A_25] : memref<64x1024xf32, #tpu.memory_space<vmem>> -> memref<32x1024xf32, #tpu.memory_space<vmem>>
    %dma_wait3A_27 = arith.constant 0 : i32
    %dma_wait3A_28 = tpu.memref_slice %arg5[%dma_wait3A_27] : memref<64xi32, #tpu.memory_space<vmem>> -> memref<32xi32, #tpu.memory_space<vmem>>
    %dma_wait3A_29 = arith.constant 0 : i32
    %dma_wait3A_30 = arith.constant 0 : i32
    %dma_wait3A_31 = tpu.memref_slice %arg3[%dma_wait3A_29, %dma_wait3A_30] : memref<100000x1024xf32, #tpu.memory_space<hbm>> -> memref<100000x1024xf32, #tpu.memory_space<hbm>>
    %dma_wait3A_32 = tpu.memref_slice %arg7[%dma_wait3A] : memref<2x!tpu.dma_semaphore, #tpu.memory_space<semaphore_mem>> -> memref<1x!tpu.dma_semaphore, #tpu.memory_space<semaphore_mem>>
    %dma_wait3A_33 = tpu.memref_squeeze %dma_wait3A_32 : memref<1x!tpu.dma_semaphore, #tpu.memory_space<semaphore_mem>> -> memref<!tpu.dma_semaphore, #tpu.memory_space<semaphore_mem>>
    tpu.wait_indirect_dma semaphore(%dma_wait3A_33 : memref<!tpu.dma_semaphore, #tpu.memory_space<semaphore_mem>>) src(%dma_wait3A_31 : memref<100000x1024xf32, #tpu.memory_space<hbm>>) dst(%dma_wait3A_26 : memref<32x1024xf32, #tpu.memory_space<vmem>>)
    %add3A_34 = arith.constant 0 : i32
    %add3A_35 = arith.addi %mul3A_2, %add3A_34 : i32
    %dma_start3A_36 = arith.constant 0 : i32
    %dma_start3A_37 = arith.constant 0 : i32
    %dma_start3A_38 = arith.constant 0 : i32
    %dma_start3A_39 = tpu.memref_slice %arg6[%dma_start3A_37, %dma_start3A_38] : memref<64x1024xf32, #tpu.memory_space<vmem>> -> memref<32x1024xf32, #tpu.memory_space<vmem>>
    %dma_start3A_40 = arith.constant 0 : i32
    %dma_start3A_41 = tpu.memref_slice %arg4[%add3A_35, %dma_start3A_40] : memref<2048x1024xf32, #tpu.memory_space<hbm>> -> memref<32x1024xf32, #tpu.memory_space<hbm>>
    %dma_start3A_42 = tpu.memref_slice %arg8[%dma_start3A_36] : memref<2x!tpu.dma_semaphore, #tpu.memory_space<semaphore_mem>> -> memref<1x!tpu.dma_semaphore, #tpu.memory_space<semaphore_mem>>
    %dma_start3A_43 = tpu.memref_squeeze %dma_start3A_42 : memref<1x!tpu.dma_semaphore, #tpu.memory_space<semaphore_mem>> -> memref<!tpu.dma_semaphore, #tpu.memory_space<semaphore_mem>>
    %dma_start3A_44 = arith.constant 0 : i32
    %dma_start3A_45 = tpu.memref_slice %arg4[%add3A_35, %dma_start3A_44] : memref<2048x1024xf32, #tpu.memory_space<hbm>> -> memref<32x1024xf32, #tpu.memory_space<hbm>>
    %dma_start3A_46 = arith.constant 0 : i32
    %dma_start3A_47 = arith.constant 0 : i32
    %dma_start3A_48 = tpu.memref_slice %arg6[%dma_start3A_46, %dma_start3A_47] : memref<64x1024xf32, #tpu.memory_space<vmem>> -> memref<32x1024xf32, #tpu.memory_space<vmem>>
    tpu.enqueue_dma source(%dma_start3A_48 : memref<32x1024xf32, #tpu.memory_space<vmem>>) target(%dma_start3A_45 : memref<32x1024xf32, #tpu.memory_space<hbm>>) target_semaphore(%dma_start3A_43 : memref<!tpu.dma_semaphore, #tpu.memory_space<semaphore_mem>>)
    %dma_wait3A_49 = arith.constant 1 : i32
    %dma_wait3A_50 = arith.constant 32 : i32
    %dma_wait3A_51 = arith.constant 0 : i32
    %dma_wait3A_52 = tpu.memref_slice %arg6[%dma_wait3A_50, %dma_wait3A_51] : memref<64x1024xf32, #tpu.memory_space<vmem>> -> memref<32x1024xf32, #tpu.memory_space<vmem>>
    %dma_wait3A_53 = arith.constant 32 : i32
    %dma_wait3A_54 = tpu.memref_slice %arg5[%dma_wait3A_53] : memref<64xi32, #tpu.memory_space<vmem>> -> memref<32xi32, #tpu.memory_space<vmem>>
    %dma_wait3A_55 = arith.constant 0 : i32
    %dma_wait3A_56 = arith.constant 0 : i32
    %dma_wait3A_57 = tpu.memref_slice %arg3[%dma_wait3A_55, %dma_wait3A_56] : memref<100000x1024xf32, #tpu.memory_space<hbm>> -> memref<100000x1024xf32, #tpu.memory_space<hbm>>
    %dma_wait3A_58 = tpu.memref_slice %arg7[%dma_wait3A_49] : memref<2x!tpu.dma_semaphore, #tpu.memory_space<semaphore_mem>> -> memref<1x!tpu.dma_semaphore, #tpu.memory_space<semaphore_mem>>
    %dma_wait3A_59 = tpu.memref_squeeze %dma_wait3A_58 : memref<1x!tpu.dma_semaphore, #tpu.memory_space<semaphore_mem>> -> memref<!tpu.dma_semaphore, #tpu.memory_space<semaphore_mem>>
    tpu.wait_indirect_dma semaphore(%dma_wait3A_59 : memref<!tpu.dma_semaphore, #tpu.memory_space<semaphore_mem>>) src(%dma_wait3A_57 : memref<100000x1024xf32, #tpu.memory_space<hbm>>) dst(%dma_wait3A_52 : memref<32x1024xf32, #tpu.memory_space<vmem>>)
    %add3A_60 = arith.constant 32 : i32
    %add3A_61 = arith.addi %mul3A_2, %add3A_60 : i32
    %dma_start3A_62 = arith.constant 1 : i32
    %dma_start3A_63 = arith.constant 32 : i32
    %dma_start3A_64 = arith.constant 0 : i32
    %dma_start3A_65 = tpu.memref_slice %arg6[%dma_start3A_63, %dma_start3A_64] : memref<64x1024xf32, #tpu.memory_space<vmem>> -> memref<32x1024xf32, #tpu.memory_space<vmem>>
    %dma_start3A_66 = arith.constant 0 : i32
    %dma_start3A_67 = tpu.memref_slice %arg4[%add3A_61, %dma_start3A_66] : memref<2048x1024xf32, #tpu.memory_space<hbm>> -> memref<32x1024xf32, #tpu.memory_space<hbm>>
    %dma_start3A_68 = tpu.memref_slice %arg8[%dma_start3A_62] : memref<2x!tpu.dma_semaphore, #tpu.memory_space<semaphore_mem>> -> memref<1x!tpu.dma_semaphore, #tpu.memory_space<semaphore_mem>>
    %dma_start3A_69 = tpu.memref_squeeze %dma_start3A_68 : memref<1x!tpu.dma_semaphore, #tpu.memory_space<semaphore_mem>> -> memref<!tpu.dma_semaphore, #tpu.memory_space<semaphore_mem>>
    %dma_start3A_70 = arith.constant 0 : i32
    %dma_start3A_71 = tpu.memref_slice %arg4[%add3A_61, %dma_start3A_70] : memref<2048x1024xf32, #tpu.memory_space<hbm>> -> memref<32x1024xf32, #tpu.memory_space<hbm>>
    %dma_start3A_72 = arith.constant 32 : i32
    %dma_start3A_73 = arith.constant 0 : i32
    %dma_start3A_74 = tpu.memref_slice %arg6[%dma_start3A_72, %dma_start3A_73] : memref<64x1024xf32, #tpu.memory_space<vmem>> -> memref<32x1024xf32, #tpu.memory_space<vmem>>
    tpu.enqueue_dma source(%dma_start3A_74 : memref<32x1024xf32, #tpu.memory_space<vmem>>) target(%dma_start3A_71 : memref<32x1024xf32, #tpu.memory_space<hbm>>) target_semaphore(%dma_start3A_69 : memref<!tpu.dma_semaphore, #tpu.memory_space<semaphore_mem>>)
    %dma_wait3A_75 = arith.constant 0 : i32
    %dma_wait3A_76 = arith.constant 0 : i32
    %dma_wait3A_77 = arith.constant 0 : i32
    %dma_wait3A_78 = tpu.memref_slice %arg6[%dma_wait3A_76, %dma_wait3A_77] : memref<64x1024xf32, #tpu.memory_space<vmem>> -> memref<32x1024xf32, #tpu.memory_space<vmem>>
    %dma_wait3A_79 = arith.constant 0 : i32
    %dma_wait3A_80 = tpu.memref_slice %arg4[%add3A_35, %dma_wait3A_79] : memref<2048x1024xf32, #tpu.memory_space<hbm>> -> memref<32x1024xf32, #tpu.memory_space<hbm>>
    %dma_wait3A_81 = tpu.memref_slice %arg8[%dma_wait3A_75] : memref<2x!tpu.dma_semaphore, #tpu.memory_space<semaphore_mem>> -> memref<1x!tpu.dma_semaphore, #tpu.memory_space<semaphore_mem>>
    %dma_wait3A_82 = tpu.memref_squeeze %dma_wait3A_81 : memref<1x!tpu.dma_semaphore, #tpu.memory_space<semaphore_mem>> -> memref<!tpu.dma_semaphore, #tpu.memory_space<semaphore_mem>>
    %dma_wait3A_83 = arith.constant 0 : i32
    %dma_wait3A_84 = tpu.memref_slice %arg4[%add3A_35, %dma_wait3A_83] : memref<2048x1024xf32, #tpu.memory_space<hbm>> -> memref<32x1024xf32, #tpu.memory_space<hbm>>
    %dma_wait3A_85 = arith.constant 0 : i32
    %dma_wait3A_86 = arith.constant 0 : i32
    %dma_wait3A_87 = tpu.memref_slice %arg6[%dma_wait3A_85, %dma_wait3A_86] : memref<64x1024xf32, #tpu.memory_space<vmem>> -> memref<32x1024xf32, #tpu.memory_space<vmem>>
    tpu.wait_dma2 semaphore(%dma_wait3A_82 : memref<!tpu.dma_semaphore, #tpu.memory_space<semaphore_mem>>) src(%dma_wait3A_87 : memref<32x1024xf32, #tpu.memory_space<vmem>>) dst(%dma_wait3A_84 : memref<32x1024xf32, #tpu.memory_space<hbm>>)
    %dma_wait3A_88 = arith.constant 1 : i32
    %dma_wait3A_89 = arith.constant 32 : i32
    %dma_wait3A_90 = arith.constant 0 : i32
    %dma_wait3A_91 = tpu.memref_slice %arg6[%dma_wait3A_89, %dma_wait3A_90] : memref<64x1024xf32, #tpu.memory_space<vmem>> -> memref<32x1024xf32, #tpu.memory_space<vmem>>
    %dma_wait3A_92 = arith.constant 0 : i32
    %dma_wait3A_93 = tpu.memref_slice %arg4[%add3A_61, %dma_wait3A_92] : memref<2048x1024xf32, #tpu.memory_space<hbm>> -> memref<32x1024xf32, #tpu.memory_space<hbm>>
    %dma_wait3A_94 = tpu.memref_slice %arg8[%dma_wait3A_88] : memref<2x!tpu.dma_semaphore, #tpu.memory_space<semaphore_mem>> -> memref<1x!tpu.dma_semaphore, #tpu.memory_space<semaphore_mem>>
    %dma_wait3A_95 = tpu.memref_squeeze %dma_wait3A_94 : memref<1x!tpu.dma_semaphore, #tpu.memory_space<semaphore_mem>> -> memref<!tpu.dma_semaphore, #tpu.memory_space<semaphore_mem>>
    %dma_wait3A_96 = arith.constant 0 : i32
    %dma_wait3A_97 = tpu.memref_slice %arg4[%add3A_61, %dma_wait3A_96] : memref<2048x1024xf32, #tpu.memory_space<hbm>> -> memref<32x1024xf32, #tpu.memory_space<hbm>>
    %dma_wait3A_98 = arith.constant 32 : i32
    %dma_wait3A_99 = arith.constant 0 : i32
    %dma_wait3A_100 = tpu.memref_slice %arg6[%dma_wait3A_98, %dma_wait3A_99] : memref<64x1024xf32, #tpu.memory_space<vmem>> -> memref<32x1024xf32, #tpu.memory_space<vmem>>
    tpu.wait_dma2 semaphore(%dma_wait3A_95 : memref<!tpu.dma_semaphore, #tpu.memory_space<semaphore_mem>>) src(%dma_wait3A_100 : memref<32x1024xf32, #tpu.memory_space<vmem>>) dst(%dma_wait3A_97 : memref<32x1024xf32, #tpu.memory_space<hbm>>)
    return
  }
}

module attributes {stable_mosaic.version = 14 : i64} {
  func.func @_ln_next_body(%arg0: i32, %arg1: i32, %arg2: memref<4x2048x1024xf32, #tpu.memory_space<any>>, %arg3: memref<512x1024xf32, #tpu.memory_space<vmem>>, %arg4: memref<512x1024xf32, #tpu.memory_space<vmem>>, %arg5: memref<1x1024xf32, #tpu.memory_space<vmem>>, %arg6: memref<1x1024xf32, #tpu.memory_space<vmem>>, %arg7: memref<1x512x1024xf32, #tpu.memory_space<vmem>>) attributes {dimension_semantics = [#tpu.dimension_semantics<arbitrary>, #tpu.dimension_semantics<arbitrary>], iteration_bounds = array<i64: 4, 1>, scalar_prefetch = 0 : i64, scratch_operands = 0 : i64, tpu.core_type = #tpu.core_type<tc>, window_params = [{}, {transform_indices = @transform_1, window_bounds = array<i64: 512, 1024>}, {transform_indices = @transform_2, window_bounds = array<i64: 512, 1024>}, {pipeline_mode = #tpu.pipeline_mode<synchronous>, transform_indices = @transform_3, window_bounds = array<i64: 1, 1024>}, {pipeline_mode = #tpu.pipeline_mode<synchronous>, transform_indices = @transform_4, window_bounds = array<i64: 1, 1024>}, {transform_indices = @transform_5, window_bounds = array<i64: 1, 512, 1024>}]} {
    %get3A = arith.constant 0 : index
    %get3A_0 = arith.constant 0 : index
    %get3A_1 = vector.load %arg3[%get3A, %get3A_0] : memref<512x1024xf32, #tpu.memory_space<vmem>>, vector<512x1024xf32>
    %get3A_2 = arith.constant 0 : index
    %get3A_3 = arith.constant 0 : index
    %get3A_4 = vector.load %arg4[%get3A_2, %get3A_3] : memref<512x1024xf32, #tpu.memory_space<vmem>>, vector<512x1024xf32>
    %add3A = arith.addf %get3A_1, %get3A_4 : vector<512x1024xf32>
    %reduce_sum3A = arith.constant dense<0.000000e+00> : vector<512xf32>
    %reduce_sum3A_5 = vector.multi_reduction <add>, %add3A, %reduce_sum3A [1] : vector<512x1024xf32> to vector<512xf32>
    %broadcast_in_dim3A = vector.shape_cast %reduce_sum3A_5 : vector<512xf32> to vector<512x1xf32>
    %div3A = arith.constant 1.024000e+03 : f32
    %div3A_6 = vector.broadcast %div3A : f32 to vector<512x1xf32>
    %div3A_7 = arith.divf %broadcast_in_dim3A, %div3A_6 : vector<512x1xf32>
    %sub3A = vector.broadcast %div3A_7 : vector<512x1xf32> to vector<512x1024xf32>
    %sub3A_8 = arith.subf %add3A, %sub3A : vector<512x1024xf32>
    %mul3A = arith.mulf %sub3A_8, %sub3A_8 : vector<512x1024xf32>
    %reduce_sum3A_9 = arith.constant dense<0.000000e+00> : vector<512xf32>
    %reduce_sum3A_10 = vector.multi_reduction <add>, %mul3A, %reduce_sum3A_9 [1] : vector<512x1024xf32> to vector<512xf32>
    %broadcast_in_dim3A_11 = vector.shape_cast %reduce_sum3A_10 : vector<512xf32> to vector<512x1xf32>
    %div3A_12 = arith.constant 1.024000e+03 : f32
    %div3A_13 = vector.broadcast %div3A_12 : f32 to vector<512x1xf32>
    %div3A_14 = arith.divf %broadcast_in_dim3A_11, %div3A_13 : vector<512x1xf32>
    %add3A_15 = arith.constant 9.99999974E-6 : f32
    %add3A_16 = vector.broadcast %add3A_15 : f32 to vector<512x1xf32>
    %add3A_17 = arith.addf %div3A_14, %add3A_16 : vector<512x1xf32>
    %rsqrt3A = math.rsqrt %add3A_17 : vector<512x1xf32>
    %mul3A_18 = vector.broadcast %rsqrt3A : vector<512x1xf32> to vector<512x1024xf32>
    %mul3A_19 = arith.mulf %sub3A_8, %mul3A_18 : vector<512x1024xf32>
    %get3A_20 = arith.constant 0 : index
    %get3A_21 = arith.constant 0 : index
    %get3A_22 = vector.load %arg5[%get3A_20, %get3A_21] : memref<1x1024xf32, #tpu.memory_space<vmem>>, vector<1x1024xf32>
    %mul3A_23 = vector.broadcast %get3A_22 : vector<1x1024xf32> to vector<512x1024xf32>
    %mul3A_24 = arith.mulf %mul3A_19, %mul3A_23 : vector<512x1024xf32>
    %get3A_25 = arith.constant 0 : index
    %get3A_26 = arith.constant 0 : index
    %get3A_27 = vector.load %arg6[%get3A_25, %get3A_26] : memref<1x1024xf32, #tpu.memory_space<vmem>>, vector<1x1024xf32>
    %add3A_28 = vector.broadcast %get3A_27 : vector<1x1024xf32> to vector<512x1024xf32>
    %add3A_29 = arith.addf %mul3A_24, %add3A_28 : vector<512x1024xf32>
    %swap3A = arith.constant 0 : index
    %swap3A_30 = arith.constant 0 : index
    %swap3A_31 = arith.constant 0 : index
    %swap3A_32 = vector.load %arg7[%swap3A, %swap3A_30, %swap3A_31] : memref<1x512x1024xf32, #tpu.memory_space<vmem>>, vector<1x512x1024xf32>
    %swap3A_33 = vector.shape_cast %swap3A_32 : vector<1x512x1024xf32> to vector<512x1024xf32>
    %swap3A_34 = vector.shape_cast %add3A_29 : vector<512x1024xf32> to vector<1x512x1024xf32>
    tpu.vector_store %arg7[%swap3A, %swap3A_30, %swap3A_31], %swap3A_34 {strides = array<i32>} : memref<1x512x1024xf32, #tpu.memory_space<vmem>>, vector<1x512x1024xf32>,
    return
  }
  func.func @transform_1(%arg0: i32, %arg1: i32) -> (i32, i32) {
    %mul3A = arith.constant 1 : i32
    %mul3A_0 = arith.muli %arg0, %mul3A : i32
    %add3A = arith.addi %mul3A_0, %arg1 : i32
    %c0_i32 = arith.constant 0 : i32
    %c0_i32_1 = arith.constant 0 : i32
    return %add3A, %c0_i32 : i32, i32
  }
  func.func @transform_2(%arg0: i32, %arg1: i32) -> (i32, i32) {
    %add3A = arith.constant 1 : i32
    %add3A_0 = arith.addi %add3A, %arg1 : i32
    %c0_i32 = arith.constant 0 : i32
    %c0_i32_1 = arith.constant 0 : i32
    return %add3A_0, %c0_i32 : i32, i32
  }
  func.func @transform_3(%arg0: i32, %arg1: i32) -> (i32, i32) {
    %c0_i32 = arith.constant 0 : i32
    %c0_i32_0 = arith.constant 0 : i32
    %c0_i32_1 = arith.constant 0 : i32
    return %c0_i32, %c0_i32_0 : i32, i32
  }
  func.func @transform_4(%arg0: i32, %arg1: i32) -> (i32, i32) {
    %c0_i32 = arith.constant 0 : i32
    %c0_i32_0 = arith.constant 0 : i32
    %c0_i32_1 = arith.constant 0 : i32
    return %c0_i32, %c0_i32_0 : i32, i32
  }
  func.func @transform_5(%arg0: i32, %arg1: i32) -> (i32, i32, i32) {
    %add3A = arith.constant 1 : i32
    %add3A_0 = arith.addi %add3A, %arg1 : i32
    %c0_i32 = arith.constant 0 : i32
    %c0_i32_1 = arith.constant 0 : i32
    return %arg0, %add3A_0, %c0_i32 : i32, i32, i32
  }
}

module attributes {stable_mosaic.version = 14 : i64} {
  func.func @_ln_first_body(%arg0: i32, %arg1: i32, %arg2: memref<512x1024xf32, #tpu.memory_space<vmem>>, %arg3: memref<512x1024xf32, #tpu.memory_space<vmem>>, %arg4: memref<1x1024xf32, #tpu.memory_space<vmem>>, %arg5: memref<1x1024xf32, #tpu.memory_space<vmem>>, %arg6: memref<1x512x1024xf32, #tpu.memory_space<vmem>>) attributes {dimension_semantics = [#tpu.dimension_semantics<arbitrary>, #tpu.dimension_semantics<arbitrary>], iteration_bounds = array<i64: 4, 1>, scalar_prefetch = 0 : i64, scratch_operands = 0 : i64, tpu.core_type = #tpu.core_type<tc>, window_params = [{transform_indices = @transform_0, window_bounds = array<i64: 512, 1024>}, {transform_indices = @transform_1, window_bounds = array<i64: 512, 1024>}, {pipeline_mode = #tpu.pipeline_mode<synchronous>, transform_indices = @transform_2, window_bounds = array<i64: 1, 1024>}, {pipeline_mode = #tpu.pipeline_mode<synchronous>, transform_indices = @transform_3, window_bounds = array<i64: 1, 1024>}, {transform_indices = @transform_4, window_bounds = array<i64: 1, 512, 1024>}]} {
    %get3A = arith.constant 0 : index
    %get3A_0 = arith.constant 0 : index
    %get3A_1 = vector.load %arg2[%get3A, %get3A_0] : memref<512x1024xf32, #tpu.memory_space<vmem>>, vector<512x1024xf32>
    %get3A_2 = arith.constant 0 : index
    %get3A_3 = arith.constant 0 : index
    %get3A_4 = vector.load %arg3[%get3A_2, %get3A_3] : memref<512x1024xf32, #tpu.memory_space<vmem>>, vector<512x1024xf32>
    %add3A = arith.addf %get3A_1, %get3A_4 : vector<512x1024xf32>
    %reduce_sum3A = arith.constant dense<0.000000e+00> : vector<512xf32>
    %reduce_sum3A_5 = vector.multi_reduction <add>, %add3A, %reduce_sum3A [1] : vector<512x1024xf32> to vector<512xf32>
    %broadcast_in_dim3A = vector.shape_cast %reduce_sum3A_5 : vector<512xf32> to vector<512x1xf32>
    %div3A = arith.constant 1.024000e+03 : f32
    %div3A_6 = vector.broadcast %div3A : f32 to vector<512x1xf32>
    %div3A_7 = arith.divf %broadcast_in_dim3A, %div3A_6 : vector<512x1xf32>
    %sub3A = vector.broadcast %div3A_7 : vector<512x1xf32> to vector<512x1024xf32>
    %sub3A_8 = arith.subf %add3A, %sub3A : vector<512x1024xf32>
    %mul3A = arith.mulf %sub3A_8, %sub3A_8 : vector<512x1024xf32>
    %reduce_sum3A_9 = arith.constant dense<0.000000e+00> : vector<512xf32>
    %reduce_sum3A_10 = vector.multi_reduction <add>, %mul3A, %reduce_sum3A_9 [1] : vector<512x1024xf32> to vector<512xf32>
    %broadcast_in_dim3A_11 = vector.shape_cast %reduce_sum3A_10 : vector<512xf32> to vector<512x1xf32>
    %div3A_12 = arith.constant 1.024000e+03 : f32
    %div3A_13 = vector.broadcast %div3A_12 : f32 to vector<512x1xf32>
    %div3A_14 = arith.divf %broadcast_in_dim3A_11, %div3A_13 : vector<512x1xf32>
    %add3A_15 = arith.constant 9.99999974E-6 : f32
    %add3A_16 = vector.broadcast %add3A_15 : f32 to vector<512x1xf32>
    %add3A_17 = arith.addf %div3A_14, %add3A_16 : vector<512x1xf32>
    %rsqrt3A = math.rsqrt %add3A_17 : vector<512x1xf32>
    %mul3A_18 = vector.broadcast %rsqrt3A : vector<512x1xf32> to vector<512x1024xf32>
    %mul3A_19 = arith.mulf %sub3A_8, %mul3A_18 : vector<512x1024xf32>
    %get3A_20 = arith.constant 0 : index
    %get3A_21 = arith.constant 0 : index
    %get3A_22 = vector.load %arg4[%get3A_20, %get3A_21] : memref<1x1024xf32, #tpu.memory_space<vmem>>, vector<1x1024xf32>
    %mul3A_23 = vector.broadcast %get3A_22 : vector<1x1024xf32> to vector<512x1024xf32>
    %mul3A_24 = arith.mulf %mul3A_19, %mul3A_23 : vector<512x1024xf32>
    %get3A_25 = arith.constant 0 : index
    %get3A_26 = arith.constant 0 : index
    %get3A_27 = vector.load %arg5[%get3A_25, %get3A_26] : memref<1x1024xf32, #tpu.memory_space<vmem>>, vector<1x1024xf32>
    %add3A_28 = vector.broadcast %get3A_27 : vector<1x1024xf32> to vector<512x1024xf32>
    %add3A_29 = arith.addf %mul3A_24, %add3A_28 : vector<512x1024xf32>
    %swap3A = arith.constant 0 : index
    %swap3A_30 = arith.constant 0 : index
    %swap3A_31 = arith.constant 0 : index
    %swap3A_32 = vector.load %arg6[%swap3A, %swap3A_30, %swap3A_31] : memref<1x512x1024xf32, #tpu.memory_space<vmem>>, vector<1x512x1024xf32>
    %swap3A_33 = vector.shape_cast %swap3A_32 : vector<1x512x1024xf32> to vector<512x1024xf32>
    %swap3A_34 = vector.shape_cast %add3A_29 : vector<512x1024xf32> to vector<1x512x1024xf32>
    tpu.vector_store %arg6[%swap3A, %swap3A_30, %swap3A_31], %swap3A_34 {strides = array<i32>} : memref<1x512x1024xf32, #tpu.memory_space<vmem>>, vector<1x512x1024xf32>,
    return
  }
  func.func @transform_0(%arg0: i32, %arg1: i32) -> (i32, i32) {
    %mul3A = arith.constant 1 : i32
    %mul3A_0 = arith.muli %arg0, %mul3A : i32
    %add3A = arith.addi %mul3A_0, %arg1 : i32
    %c0_i32 = arith.constant 0 : i32
    %c0_i32_1 = arith.constant 0 : i32
    return %add3A, %c0_i32 : i32, i32
  }
  func.func @transform_1(%arg0: i32, %arg1: i32) -> (i32, i32) {
    %add3A = arith.constant 0 : i32
    %add3A_0 = arith.addi %add3A, %arg1 : i32
    %c0_i32 = arith.constant 0 : i32
    %c0_i32_1 = arith.constant 0 : i32
    return %add3A_0, %c0_i32 : i32, i32
  }
  func.func @transform_2(%arg0: i32, %arg1: i32) -> (i32, i32) {
    %c0_i32 = arith.constant 0 : i32
    %c0_i32_0 = arith.constant 0 : i32
    %c0_i32_1 = arith.constant 0 : i32
    return %c0_i32, %c0_i32_0 : i32, i32
  }
  func.func @transform_3(%arg0: i32, %arg1: i32) -> (i32, i32) {
    %c0_i32 = arith.constant 0 : i32
    %c0_i32_0 = arith.constant 0 : i32
    %c0_i32_1 = arith.constant 0 : i32
    return %c0_i32, %c0_i32_0 : i32, i32
  }
  func.func @transform_4(%arg0: i32, %arg1: i32) -> (i32, i32, i32) {
    %add3A = arith.constant 0 : i32
    %add3A_0 = arith.addi %add3A, %arg1 : i32
    %c0_i32 = arith.constant 0 : i32
    %c0_i32_1 = arith.constant 0 : i32
    return %arg0, %add3A_0, %c0_i32 : i32, i32, i32
  }
}

module attributes {stable_mosaic.version = 14 : i64} {
  func.func @_ln_next_body(%arg0: i32, %arg1: i32, %arg2: memref<4x2048x1024xf32, #tpu.memory_space<any>>, %arg3: memref<512x1024xf32, #tpu.memory_space<vmem>>, %arg4: memref<512x1024xf32, #tpu.memory_space<vmem>>, %arg5: memref<1x1024xf32, #tpu.memory_space<vmem>>, %arg6: memref<1x1024xf32, #tpu.memory_space<vmem>>, %arg7: memref<1x512x1024xf32, #tpu.memory_space<vmem>>) attributes {dimension_semantics = [#tpu.dimension_semantics<arbitrary>, #tpu.dimension_semantics<arbitrary>], iteration_bounds = array<i64: 4, 1>, scalar_prefetch = 0 : i64, scratch_operands = 0 : i64, tpu.core_type = #tpu.core_type<tc>, window_params = [{}, {transform_indices = @transform_1, window_bounds = array<i64: 512, 1024>}, {transform_indices = @transform_2, window_bounds = array<i64: 512, 1024>}, {pipeline_mode = #tpu.pipeline_mode<synchronous>, transform_indices = @transform_3, window_bounds = array<i64: 1, 1024>}, {pipeline_mode = #tpu.pipeline_mode<synchronous>, transform_indices = @transform_4, window_bounds = array<i64: 1, 1024>}, {transform_indices = @transform_5, window_bounds = array<i64: 1, 512, 1024>}]} {
    %get3A = arith.constant 0 : index
    %get3A_0 = arith.constant 0 : index
    %get3A_1 = vector.load %arg3[%get3A, %get3A_0] : memref<512x1024xf32, #tpu.memory_space<vmem>>, vector<512x1024xf32>
    %get3A_2 = arith.constant 0 : index
    %get3A_3 = arith.constant 0 : index
    %get3A_4 = vector.load %arg4[%get3A_2, %get3A_3] : memref<512x1024xf32, #tpu.memory_space<vmem>>, vector<512x1024xf32>
    %add3A = arith.addf %get3A_1, %get3A_4 : vector<512x1024xf32>
    %reduce_sum3A = arith.constant dense<0.000000e+00> : vector<512xf32>
    %reduce_sum3A_5 = vector.multi_reduction <add>, %add3A, %reduce_sum3A [1] : vector<512x1024xf32> to vector<512xf32>
    %broadcast_in_dim3A = vector.shape_cast %reduce_sum3A_5 : vector<512xf32> to vector<512x1xf32>
    %div3A = arith.constant 1.024000e+03 : f32
    %div3A_6 = vector.broadcast %div3A : f32 to vector<512x1xf32>
    %div3A_7 = arith.divf %broadcast_in_dim3A, %div3A_6 : vector<512x1xf32>
    %sub3A = vector.broadcast %div3A_7 : vector<512x1xf32> to vector<512x1024xf32>
    %sub3A_8 = arith.subf %add3A, %sub3A : vector<512x1024xf32>
    %mul3A = arith.mulf %sub3A_8, %sub3A_8 : vector<512x1024xf32>
    %reduce_sum3A_9 = arith.constant dense<0.000000e+00> : vector<512xf32>
    %reduce_sum3A_10 = vector.multi_reduction <add>, %mul3A, %reduce_sum3A_9 [1] : vector<512x1024xf32> to vector<512xf32>
    %broadcast_in_dim3A_11 = vector.shape_cast %reduce_sum3A_10 : vector<512xf32> to vector<512x1xf32>
    %div3A_12 = arith.constant 1.024000e+03 : f32
    %div3A_13 = vector.broadcast %div3A_12 : f32 to vector<512x1xf32>
    %div3A_14 = arith.divf %broadcast_in_dim3A_11, %div3A_13 : vector<512x1xf32>
    %add3A_15 = arith.constant 9.99999974E-6 : f32
    %add3A_16 = vector.broadcast %add3A_15 : f32 to vector<512x1xf32>
    %add3A_17 = arith.addf %div3A_14, %add3A_16 : vector<512x1xf32>
    %rsqrt3A = math.rsqrt %add3A_17 : vector<512x1xf32>
    %mul3A_18 = vector.broadcast %rsqrt3A : vector<512x1xf32> to vector<512x1024xf32>
    %mul3A_19 = arith.mulf %sub3A_8, %mul3A_18 : vector<512x1024xf32>
    %get3A_20 = arith.constant 0 : index
    %get3A_21 = arith.constant 0 : index
    %get3A_22 = vector.load %arg5[%get3A_20, %get3A_21] : memref<1x1024xf32, #tpu.memory_space<vmem>>, vector<1x1024xf32>
    %mul3A_23 = vector.broadcast %get3A_22 : vector<1x1024xf32> to vector<512x1024xf32>
    %mul3A_24 = arith.mulf %mul3A_19, %mul3A_23 : vector<512x1024xf32>
    %get3A_25 = arith.constant 0 : index
    %get3A_26 = arith.constant 0 : index
    %get3A_27 = vector.load %arg6[%get3A_25, %get3A_26] : memref<1x1024xf32, #tpu.memory_space<vmem>>, vector<1x1024xf32>
    %add3A_28 = vector.broadcast %get3A_27 : vector<1x1024xf32> to vector<512x1024xf32>
    %add3A_29 = arith.addf %mul3A_24, %add3A_28 : vector<512x1024xf32>
    %swap3A = arith.constant 0 : index
    %swap3A_30 = arith.constant 0 : index
    %swap3A_31 = arith.constant 0 : index
    %swap3A_32 = vector.load %arg7[%swap3A, %swap3A_30, %swap3A_31] : memref<1x512x1024xf32, #tpu.memory_space<vmem>>, vector<1x512x1024xf32>
    %swap3A_33 = vector.shape_cast %swap3A_32 : vector<1x512x1024xf32> to vector<512x1024xf32>
    %swap3A_34 = vector.shape_cast %add3A_29 : vector<512x1024xf32> to vector<1x512x1024xf32>
    tpu.vector_store %arg7[%swap3A, %swap3A_30, %swap3A_31], %swap3A_34 {strides = array<i32>} : memref<1x512x1024xf32, #tpu.memory_space<vmem>>, vector<1x512x1024xf32>,
    return
  }
  func.func @transform_1(%arg0: i32, %arg1: i32) -> (i32, i32) {
    %mul3A = arith.constant 1 : i32
    %mul3A_0 = arith.muli %arg0, %mul3A : i32
    %add3A = arith.addi %mul3A_0, %arg1 : i32
    %c0_i32 = arith.constant 0 : i32
    %c0_i32_1 = arith.constant 0 : i32
    return %add3A, %c0_i32 : i32, i32
  }
  func.func @transform_2(%arg0: i32, %arg1: i32) -> (i32, i32) {
    %add3A = arith.constant 2 : i32
    %add3A_0 = arith.addi %add3A, %arg1 : i32
    %c0_i32 = arith.constant 0 : i32
    %c0_i32_1 = arith.constant 0 : i32
    return %add3A_0, %c0_i32 : i32, i32
  }
  func.func @transform_3(%arg0: i32, %arg1: i32) -> (i32, i32) {
    %c0_i32 = arith.constant 0 : i32
    %c0_i32_0 = arith.constant 0 : i32
    %c0_i32_1 = arith.constant 0 : i32
    return %c0_i32, %c0_i32_0 : i32, i32
  }
  func.func @transform_4(%arg0: i32, %arg1: i32) -> (i32, i32) {
    %c0_i32 = arith.constant 0 : i32
    %c0_i32_0 = arith.constant 0 : i32
    %c0_i32_1 = arith.constant 0 : i32
    return %c0_i32, %c0_i32_0 : i32, i32
  }
  func.func @transform_5(%arg0: i32, %arg1: i32) -> (i32, i32, i32) {
    %add3A = arith.constant 2 : i32
    %add3A_0 = arith.addi %add3A, %arg1 : i32
    %c0_i32 = arith.constant 0 : i32
    %c0_i32_1 = arith.constant 0 : i32
    return %arg0, %add3A_0, %c0_i32 : i32, i32, i32
  }
}

module attributes {stable_mosaic.version = 14 : i64} {
  func.func @_ln_next_body(%arg0: i32, %arg1: i32, %arg2: memref<4x2048x1024xf32, #tpu.memory_space<any>>, %arg3: memref<512x1024xf32, #tpu.memory_space<vmem>>, %arg4: memref<512x1024xf32, #tpu.memory_space<vmem>>, %arg5: memref<1x1024xf32, #tpu.memory_space<vmem>>, %arg6: memref<1x1024xf32, #tpu.memory_space<vmem>>, %arg7: memref<1x512x1024xf32, #tpu.memory_space<vmem>>) attributes {dimension_semantics = [#tpu.dimension_semantics<arbitrary>, #tpu.dimension_semantics<arbitrary>], iteration_bounds = array<i64: 4, 1>, scalar_prefetch = 0 : i64, scratch_operands = 0 : i64, tpu.core_type = #tpu.core_type<tc>, window_params = [{}, {transform_indices = @transform_1, window_bounds = array<i64: 512, 1024>}, {transform_indices = @transform_2, window_bounds = array<i64: 512, 1024>}, {pipeline_mode = #tpu.pipeline_mode<synchronous>, transform_indices = @transform_3, window_bounds = array<i64: 1, 1024>}, {pipeline_mode = #tpu.pipeline_mode<synchronous>, transform_indices = @transform_4, window_bounds = array<i64: 1, 1024>}, {transform_indices = @transform_5, window_bounds = array<i64: 1, 512, 1024>}]} {
    %get3A = arith.constant 0 : index
    %get3A_0 = arith.constant 0 : index
    %get3A_1 = vector.load %arg3[%get3A, %get3A_0] : memref<512x1024xf32, #tpu.memory_space<vmem>>, vector<512x1024xf32>
    %get3A_2 = arith.constant 0 : index
    %get3A_3 = arith.constant 0 : index
    %get3A_4 = vector.load %arg4[%get3A_2, %get3A_3] : memref<512x1024xf32, #tpu.memory_space<vmem>>, vector<512x1024xf32>
    %add3A = arith.addf %get3A_1, %get3A_4 : vector<512x1024xf32>
    %reduce_sum3A = arith.constant dense<0.000000e+00> : vector<512xf32>
    %reduce_sum3A_5 = vector.multi_reduction <add>, %add3A, %reduce_sum3A [1] : vector<512x1024xf32> to vector<512xf32>
    %broadcast_in_dim3A = vector.shape_cast %reduce_sum3A_5 : vector<512xf32> to vector<512x1xf32>
    %div3A = arith.constant 1.024000e+03 : f32
    %div3A_6 = vector.broadcast %div3A : f32 to vector<512x1xf32>
    %div3A_7 = arith.divf %broadcast_in_dim3A, %div3A_6 : vector<512x1xf32>
    %sub3A = vector.broadcast %div3A_7 : vector<512x1xf32> to vector<512x1024xf32>
    %sub3A_8 = arith.subf %add3A, %sub3A : vector<512x1024xf32>
    %mul3A = arith.mulf %sub3A_8, %sub3A_8 : vector<512x1024xf32>
    %reduce_sum3A_9 = arith.constant dense<0.000000e+00> : vector<512xf32>
    %reduce_sum3A_10 = vector.multi_reduction <add>, %mul3A, %reduce_sum3A_9 [1] : vector<512x1024xf32> to vector<512xf32>
    %broadcast_in_dim3A_11 = vector.shape_cast %reduce_sum3A_10 : vector<512xf32> to vector<512x1xf32>
    %div3A_12 = arith.constant 1.024000e+03 : f32
    %div3A_13 = vector.broadcast %div3A_12 : f32 to vector<512x1xf32>
    %div3A_14 = arith.divf %broadcast_in_dim3A_11, %div3A_13 : vector<512x1xf32>
    %add3A_15 = arith.constant 9.99999974E-6 : f32
    %add3A_16 = vector.broadcast %add3A_15 : f32 to vector<512x1xf32>
    %add3A_17 = arith.addf %div3A_14, %add3A_16 : vector<512x1xf32>
    %rsqrt3A = math.rsqrt %add3A_17 : vector<512x1xf32>
    %mul3A_18 = vector.broadcast %rsqrt3A : vector<512x1xf32> to vector<512x1024xf32>
    %mul3A_19 = arith.mulf %sub3A_8, %mul3A_18 : vector<512x1024xf32>
    %get3A_20 = arith.constant 0 : index
    %get3A_21 = arith.constant 0 : index
    %get3A_22 = vector.load %arg5[%get3A_20, %get3A_21] : memref<1x1024xf32, #tpu.memory_space<vmem>>, vector<1x1024xf32>
    %mul3A_23 = vector.broadcast %get3A_22 : vector<1x1024xf32> to vector<512x1024xf32>
    %mul3A_24 = arith.mulf %mul3A_19, %mul3A_23 : vector<512x1024xf32>
    %get3A_25 = arith.constant 0 : index
    %get3A_26 = arith.constant 0 : index
    %get3A_27 = vector.load %arg6[%get3A_25, %get3A_26] : memref<1x1024xf32, #tpu.memory_space<vmem>>, vector<1x1024xf32>
    %add3A_28 = vector.broadcast %get3A_27 : vector<1x1024xf32> to vector<512x1024xf32>
    %add3A_29 = arith.addf %mul3A_24, %add3A_28 : vector<512x1024xf32>
    %swap3A = arith.constant 0 : index
    %swap3A_30 = arith.constant 0 : index
    %swap3A_31 = arith.constant 0 : index
    %swap3A_32 = vector.load %arg7[%swap3A, %swap3A_30, %swap3A_31] : memref<1x512x1024xf32, #tpu.memory_space<vmem>>, vector<1x512x1024xf32>
    %swap3A_33 = vector.shape_cast %swap3A_32 : vector<1x512x1024xf32> to vector<512x1024xf32>
    %swap3A_34 = vector.shape_cast %add3A_29 : vector<512x1024xf32> to vector<1x512x1024xf32>
    tpu.vector_store %arg7[%swap3A, %swap3A_30, %swap3A_31], %swap3A_34 {strides = array<i32>} : memref<1x512x1024xf32, #tpu.memory_space<vmem>>, vector<1x512x1024xf32>,
    return
  }
  func.func @transform_1(%arg0: i32, %arg1: i32) -> (i32, i32) {
    %mul3A = arith.constant 1 : i32
    %mul3A_0 = arith.muli %arg0, %mul3A : i32
    %add3A = arith.addi %mul3A_0, %arg1 : i32
    %c0_i32 = arith.constant 0 : i32
    %c0_i32_1 = arith.constant 0 : i32
    return %add3A, %c0_i32 : i32, i32
  }
  func.func @transform_2(%arg0: i32, %arg1: i32) -> (i32, i32) {
    %add3A = arith.constant 3 : i32
    %add3A_0 = arith.addi %add3A, %arg1 : i32
    %c0_i32 = arith.constant 0 : i32
    %c0_i32_1 = arith.constant 0 : i32
    return %add3A_0, %c0_i32 : i32, i32
  }
  func.func @transform_3(%arg0: i32, %arg1: i32) -> (i32, i32) {
    %c0_i32 = arith.constant 0 : i32
    %c0_i32_0 = arith.constant 0 : i32
    %c0_i32_1 = arith.constant 0 : i32
    return %c0_i32, %c0_i32_0 : i32, i32
  }
  func.func @transform_4(%arg0: i32, %arg1: i32) -> (i32, i32) {
    %c0_i32 = arith.constant 0 : i32
    %c0_i32_0 = arith.constant 0 : i32
    %c0_i32_1 = arith.constant 0 : i32
    return %c0_i32, %c0_i32_0 : i32, i32
  }
  func.func @transform_5(%arg0: i32, %arg1: i32) -> (i32, i32, i32) {
    %add3A = arith.constant 3 : i32
    %add3A_0 = arith.addi %add3A, %arg1 : i32
    %c0_i32 = arith.constant 0 : i32
    %c0_i32_1 = arith.constant 0 : i32
    return %arg0, %add3A_0, %c0_i32 : i32, i32, i32
  }
}

</mosaic_0001>

<sc_bundles>
// kernel: kernel.10.cloned.1.call-start
scs
__scs_entry_jumppad:
0x0: {  	(pc) =	sbr.rel $0x88, $3  }
0x1: {  	(tag) =	ssettag $0x0;
	lr =	simm.s32 $0x1  }
0x2: {  	[smem:$0x3F9C] =	sst lr;
	_ =	strace $0xD0000000  }
0x3: {  	_ = 	snop  }
0x4: {  	_ = 	snop  }
0x5: {  	_ = 	snop  }
0x6: {  	_ = 	snop  }
0x7: {  	_ = 	snop  }
__scs_overlays_trampoline_lowered:
0x8: {  	[smem:$0x3FAB] =	sst s0  }
0x9: {  	[smem:$0x3FAC] =	sst s1  }
0xa: {  	[smem:$0x3FAD] =	sst s2  }
0xb: {  	[smem:$0x3FAE] =	sst s3  }
0xc: {  	[smem:$0x3FAF] =	sst s4  }
0xd: {  	[smem:$0x3FB0] =	sst s5  }
0xe: {  	[smem:$0x3FB1] =	sst s6  }
0xf: {  	[smem:$0x3FB2] =	sst s7  }
0x10: {  	[smem:$0x3FB3] =	sst s8  }
0x11: {  	[smem:$0x3FB4] =	sst s9;
	s0 =	simm.s32 @!p0 $0x0  }
0x12: {  	s1 =	sld [smem:$0x3F9A];
	s0 =	simm.s32 @p0 $0x1  }
0x13: {  	[smem:$0x3FB5] =	sst s0;
	s0 =	simm.s32 @!p1 $0x0  }
0x14: {  	s2 =	sld [smem:$0x3F99];
	s0 =	simm.s32 @p1 $0x1  }
0x15: {  	[smem:$0x3FB6] =	sst s0;
	s0 =	simm.s32 @!p2 $0x0  }
0x16: {  	s3 =	sld [smem:$0x3FDB];
	s0 =	simm.s32 @p2 $0x1  }
0x17: {  	s4 =	simm.s32 $0x1BF5;
	[smem:$0x3FB8] =	sst s0  }
0x18: {  	s0 =	sld [smem:$0x3F9B];
	_ =	swait.ge [sflag:s4], $0x0  }
0x19: {  	s7 =	sld [smem:$0x3F9C]  }
0x1a: {  	s8 =	sadd.s32 $0xFFFFE003, lr  }
0x1b: {  	s9 =	sadd.s32 $0xFFFFFEF7, lr;
	s5 =	simm.s32 $0xFFFFFFFF;
	p2 =	slt.u32 s8, $0xFFFFF086  }
0x1c: {  	p1 =	slt.u32 s9, $0xF7A;
	s5 =	simm.s32 @!p2 $0x0  }
0x1d: {  	s5 =	simm.s32 @p1 $0x1;
	p0 =	seq.s32 s7, s2  }
0x1e: {  	s7 =	smul.u32 @!p0 $0xF7A, s2;
	p2 =	seq.s32 @!p0 s5, $0x0  }
0x1f: {  	s9 =	smul.u32 $0xF7A, s1;
	s8 =	simm.s32 @!p0 $0x1BF5;
	p2 =	por !p2, p0  }
0x20: {  	[sflag:s8] =	ssyncset.s32 @!p0 $0xFFFFF086;
	s6 =	sadd.s32 @!p0 s3, s7;
	s7 =	simm.s32 @!p0 $0x108  }
0x21: {  	s3 =	sadd.s32 s3, s9;
	s6 =	sadd.s32 @!p0 $0x88, s6;
	s7 =	simm.s32 @p2 $0x1082  }
0x22: {  	[simem:s7], [sflag:s8] =	dma.local @!p0 [hbm:s6], $0xF7A  }
0x23: {  	s9 =	sor.u32 $0xD0000000, s2;
	s6 =	simm.s32 $0x108;
	_ =	swait.ge @!p0 [sflag:s8], $0x0  }
0x24: {  	s3 =	sadd.s32 $0x88, s3;
	s6 =	simm.s32 @!p1 $0x1082;
	[sflag:s4] =	ssyncset.s32 $0xFFFFF086  }
0x25: {  	[simem:s6], [sflag:s4] =	dma.local [hbm:s3], $0xF7A  }
0x26: {  	[smem:$0x3F9C] =	sst s1;
	(tag) =	ssettag s2;
	_ =	strace s9  }
0x27: {  	s1 =	sld [smem:$0x3FAC]  }
0x28: {  	s2 =	sld [smem:$0x3FAD]  }
0x29: {  	s4 =	sld [smem:$0x3FAF]  }
0x2a: {  	p0 =	seq.s32 s5, $0x0;
	s5 =	sld [smem:$0x3FB0]  }
0x2b: {  	s6 =	sld [smem:$0x3FB1]  }
0x2c: {  	s7 =	sld [smem:$0x3FB2]  }
0x2d: {  	s3 =	simm.s32 $0x108;
	s8 =	sld [smem:$0x3FB3]  }
0x2e: {  	s3 =	simm.s32 @!p0 $0x1082;
	s9 =	sld [smem:$0x3FB4]  }
0x2f: {  	lr =	sadd.s32 s0, s3;
	s0 =	sld [smem:$0x3FAB]  }
0x30: {  	s3 =	sld [smem:$0x3FAE]  }
0x31: {  	[smem:$0x3FB7] =	sst s10  }
0x32: {  	s10 =	sld [smem:$0x3FB5];
	_ =	sdelay $0x3  }
0x33: {  	p0 =	seq.s32 s10, $0x1;
	s10 =	sld [smem:$0x3FB7];
	_ =	sdelay $0x3  }
0x34: {  	[smem:$0x3FB7] =	sst s10  }
0x35: {  	s10 =	sld [smem:$0x3FB6];
	_ =	sdelay $0x3  }
0x36: {  	p1 =	seq.s32 s10, $0x1;
	s10 =	sld [smem:$0x3FB7];
	_ =	sdelay $0x3  }
0x37: {  	[smem:$0x3FB7] =	sst s10  }
0x38: {  	s10 =	sld [smem:$0x3FB8]  }
0x39: {  	_ = 	snop;
	(pc) =	sbr.ind lr, $3  }
0x3a: {  	_ = 	snop  }
0x3b: {  	_ = 	snop  }
0x3c: {  	p2 =	seq.s32 s10, $0x1;
	s10 =	sld [smem:$0x3FB7]  }
0x3d: {  	_ =	shalt  }
0x3e: {  	_ =	shalt  }
0x3f: {  	_ =	shalt  }
0x40: {  	_ =	shalt  }
0x41: {  	_ =	shalt  }
0x42: {  	_ =	shalt  }
0x43: {  	_ =	shalt  }
0x44: {  	_ =	shalt  }
0x45: {  	_ =	shalt  }
0x46: {  	_ =	shalt  }
0x47: {  	_ =	shalt  }
0x48: {  	_ =	shalt  }
0x49: {  	_ =	shalt  }
0x4a: {  	_ =	shalt  }
0x4b: {  	_ =	shalt  }
0x4c: {  	_ =	shalt  }
0x4d: {  	_ =	shalt  }
0x4e: {  	_ =	shalt  }
0x4f: {  	_ =	shalt  }
0x50: {  	_ =	shalt  }
0x51: {  	_ =	shalt  }
0x52: {  	_ =	shalt  }
0x53: {  	_ =	shalt  }
0x54: {  	_ =	shalt  }
0x55: {  	_ =	shalt  }
0x56: {  	_ =	shalt  }
0x57: {  	_ =	shalt  }
0x58: {  	_ =	shalt  }
0x59: {  	_ =	shalt  }
0x5a: {  	_ =	shalt  }
0x5b: {  	_ =	shalt  }
0x5c: {  	_ =	shalt  }
0x5d: {  	_ =	shalt  }
0x5e: {  	_ =	shalt  }
0x5f: {  	_ =	shalt  }
0x60: {  	_ =	shalt  }
0x61: {  	_ =	shalt  }
0x62: {  	_ =	shalt  }
0x63: {  	_ =	shalt  }
0x64: {  	_ =	shalt  }
0x65: {  	_ =	shalt  }
0x66: {  	_ =	shalt  }
0x67: {  	_ =	shalt  }
0x68: {  	_ =	shalt  }
0x69: {  	_ =	shalt  }
0x6a: {  	_ =	shalt  }
0x6b: {  	_ =	shalt  }
0x6c: {  	_ =	shalt  }
0x6d: {  	_ =	shalt  }
0x6e: {  	_ =	shalt  }
0x6f: {  	_ =	shalt  }
0x70: {  	_ =	shalt  }
0x71: {  	_ =	shalt  }
0x72: {  	_ =	shalt  }
0x73: {  	_ =	shalt  }
0x74: {  	_ =	shalt  }
0x75: {  	_ =	shalt  }
0x76: {  	_ =	shalt  }
0x77: {  	_ =	shalt  }
0x78: {  	_ =	shalt  }
0x79: {  	_ =	shalt  }
0x7a: {  	_ =	shalt  }
0x7b: {  	_ =	shalt  }
0x7c: {  	_ =	shalt  }
0x7d: {  	_ =	shalt  }
0x7e: {  	_ =	shalt  }
0x7f: {  	_ =	shalt  }
0x80: {  	_ =	shalt  }
0x81: {  	_ =	shalt  }
0x82: {  	_ =	shalt  }
0x83: {  	_ =	shalt  }
0x84: {  	_ =	shalt  }
0x85: {  	_ =	shalt  }
0x86: {  	_ =	shalt  }
0x87: {  	_ =	shalt  }
.Lfunc_end0:
.L_simem_size_0:
called_computation_lowered:
.L_overlay_start_0:
0x88: {  	s2 =	sld [smem:$0x3FD9]  }
0x89: {  	s3 =	sld [smem:$0x3FFE];
	_ =	sdelay $0x1  }
0x8a: {  	s1 =	srdreg.scid  }
0x8b: {  	s0 =	sand.u32 $0x1, s1  }
0x8c: {  	s17 =	sshll.u32 s0, $0xA;
	s2 =	sadd.s32 s3, s2  }
0x8d: {  	s2 =	sadd.s32 s2, s17  }
0x8e: {  	[smem:$0x3FC3] =	sst s2  }
0x8f: {  	_ = 	snop  }
0x90: {  	s2 =	sld [smem:$0x3FC8]  }
0x91: {  	s18 =	sld [smem:$0x3FD0];
	(tm) =	ssettm $0x1  }
0x92: {  	s4 =	sld [smem:$0x3FFB];
	_ =	sdelay $0x3  }
0x93: {  	_ =	strace s4  }
0x94: {  	s4 =	sld [smem:$0x3FFC];
	_ =	sdelay $0x3  }
0x95: {  	_ =	strace s4  }
0x96: {  	s4 =	sld [smem:$0x3FFD];
	_ =	sdelay $0x3  }
0x97: {  	_ =	strace s4  }
0x98: {  	_ =	strace $0x8FFFFFFF  }
0x99: {  	s19 =	sld [smem:$0x3FDB];
	_ =	sdelay $0x1  }
0x9a: {  	s5 =	simm.s32 $_scs_section_size  }
0x9b: {  	s6 =	simm.s32 $_size__tile_overlayer_lowered;
	s7 =	simm.s32 $_tile_overlayer_lowered  }
0x9c: {  	s22 =	simm.s32 $0x1BFF;
	s21 =	sshll.u32 s7, $0x1;
	s4 =	sadd.s32 s5, s19  }
0x9d: {  	s8 =	simm.s32 $0x0;
	s20 =	sshll.u32 s6, $0x1;
	s6 =	sadd.s32 s21, s4  }
0x9e: {  	[timem:s8], [sflag:s22] =	dma.local [hbm:s6], s20  }
0x9f: {  	_ =	swait.ge [sflag:s22], s20  }
0xa0: {  	s5 =	ssub.s32 $0x0, s20;
	[sflag:s22] =	ssyncset.done $0x0  }
0xa1: {  	[sflag:s22] =	ssyncadd.s32 s5;
	_ =	sdelay $0x1  }
0xa2: {  	s23 =	simm.s32 $0x1B8B  }
0xa3: {  	_ =	swait.ge [sflag:s23], $0x1  }
0xa4: {  	[sflag:s23] =	ssyncset.done $0x0  }
0xa5: {  	s25 =	simm.s32 $0x1B8E;
	s24 =	sld [smem:$0x3FFE];
	[sflag:s23] =	ssyncadd.s32 $0xFFFFFFFF  }
0xa6: {  	s26 =	simm.s32 $execute0_lowered;
	[smem:$0x3FD2] =	sst s25  }
0xa7: {  	s6 =	sshll.u32 s26, $0x1;
	_ =	strace $0x80000046;
	[dreg:$0x1] =	wrdreg $0xFFFFFFFF  }
0xa8: {  	s28 =	simm.s32 $_size_execute0_lowered;
	s4 =	sadd.s32 s4, s6;
	[dreg:$0x0] =	wrdreg $0x0  }
0xa9: {  	s6 =	sshll.u32 s28, $0x1;
	[dreg:$0x2] =	wrdreg s4  }
0xaa: {  	[dreg:$0x3] =	wrdreg s6  }
0xab: {  	[dreg:$0x4] =	wrdreg $0xC0  }
0xac: {  	_ =	task [dreg:s8], $0x5FFFF  }
0xad: {  	[dreg:$0x1] =	wrdreg $0xFFFFFFFF  }
0xae: {  	[dreg:$0x0] =	wrdreg $0x60  }
0xaf: {  	[dreg:$0x2] =	wrdreg s24  }
0xb0: {  	[dreg:$0x3] =	wrdreg s2  }
0xb1: {  	[dreg:$0x4] =	wrdreg s18  }
0xb2: {  	[dreg:$0x5] =	wrdreg $0x9  }
0xb3: {  	_ =	task.clear_ibuf [dreg:s8], $0x6FFFF;
	_ =	strace $0x90000046  }
0xb4: {  	s29 =	simm.s32 $0x9;
	_ =	strace $0x80000048  }
0xb5: {  	_ =	swait.ge [sflag:s29], $0x1  }
0xb6: {  	[sflag:s29] =	ssyncadd.s32 $0xFFFFFFFF  }
0xb7: {  	_ =	strace $0x90000048  }
0xb8: {  	_ =	sfence  }
0xb9: {  	s30 =	sld [smem:$0x0];
	_ =	sdelay $0x2  }
0xba: {  	s31 =	sshll.u32 s1, $0xD;
	s1 =	sshrl.u32 s1, $0x2  }
0xbb: {  	s3 =	sand.u32 $0x4000, s31;
	s1 =	sadd.s32 s1, s30  }
0xbc: {  	s0 =	sor.u32 s3, s0;
	s1 =	sshll.u32 s1, $0x11  }
0xbd: {  	s0 =	sor.u32 s1, s0  }
0xbe: {  	s0 =	sadd.s32 $0x8F2B, s0  }
0xbf: {  	[sflag:s0] =	ssyncadd.remote.s32 $0x1  }
0xc0: {  	_ =	sfence.sel $0xFFFF  }
0xc1: {  	[dreg:$0x0] =	wrdreg $0xFFFFFFFF;
	(pc) =	sbr.abs _section_cstart, $3  }
0xc2: {  	[dreg:$0x1] =	wrdreg $0xFFFFFFFF  }
0xc3: {  	_ =	task.clear_ibuf [dreg:s8], $0x2FFFF;
	_ =	strace $0x9FFFFFFF  }
0xc4: {  	(tm) =	ssettm $0x7FFFFFFF  }
0xc5: {  	_ =	shalt  }
tec
execute0_lowered:
.L_overlay_start_1:
0x0: {  	(tag) =	ssettag $0x1  }
0x1: {  	s1 =	srdreg.scid;
	s4 =	rddreg [dreg:$0x0]  }
0x2: {  	s0 =	stileid.u32;
	s2 =	rddreg [dreg:$0x1];
	s1 =	sand.u32 $0x1, s1  }
0x3: {  	s6 =	rddreg [dreg:$0x2];
	s3 =	sshll.u32 s0, $0x7;
	s5 =	sshll.u32 s1, $0x6  }
0x4: {  	s14 =	simm.s32 $0x880;
	s5 =	sor.u32 s5, s3;
	s3 =	simm.s32 $0x0  }
0x5: {  	s15 =	simm.s32 $0x1080;
	s16 =	simm.s32 $0x1880;
	[smem:$0x7FF] =	sst s3  }
0x6: {  	s17 =	simm.s32 $0x2080;
	_ =	strace $0x80000047;
	[dreg:$0x6] =	wrdreg s14  }
0x7: {  	s18 =	simm.s32 $0x2880;
	s19 =	simm.s32 $0x3080;
	[dreg:$0x7] =	wrdreg s15  }
0x8: {  	s20 =	simm.s32 $0x3880;
	s21 =	simm.s32 $0x4080;
	[dreg:$0x8] =	wrdreg s16  }
0x9: {  	s23 =	simm.s32 $0x4880;
	s24 =	simm.s32 $0x5080;
	[dreg:$0x9] =	wrdreg s17  }
0xa: {  	s25 =	simm.s32 $0x5880;
	s8 =	simm.s32 $0x6080;
	[dreg:$0xa] =	wrdreg s18  }
0xb: {  	s9 =	simm.s32 $0x6880;
	s26 =	simm.s32 $0x7080;
	[dreg:$0xb] =	wrdreg s19  }
0xc: {  	s10 =	simm.s32 $0x80;
	s12 =	simm.s32 $0x8080;
	[dreg:$0xc] =	wrdreg s20  }
0xd: {  	s13 =	simm.s32 $0x8880;
	s28 =	simm.s32 $0xF880;
	[dreg:$0xd] =	wrdreg s21  }
0xe: {  	s29 =	simm.s32 $0x1;
	s30 =	simm.s32 $0x2;
	[dreg:$0xe] =	wrdreg s23  }
0xf: {  	s31 =	simm.s32 $0x3;
	s1 =	ssub.s32 $0x2, s1;
	[dreg:$0xf] =	wrdreg s24  }
0x10: {  	s22 =	sshrl.u32 s1, $0x1;
	s7 =	sshrl.u32 s5, $0x3;
	[dreg:$0x10] =	wrdreg s25  }
0x11: {  	s5 =	sshll.u32 s5, $0x7;
	s1 =	ssub.s32 s1, s22;
	[dreg:$0x11] =	wrdreg s8  }
0x12: {  	s22 =	simm.s32 $0xD080;
	s4 =	sadd.s32 s7, s4;
	[dreg:$0x12] =	wrdreg s9  }
0x13: {  	s8 =	smax.u32 s1, $0x1;
	s9 =	simm.s32 $0x5;
	[dreg:$0x13] =	wrdreg s26  }
0x14: {  	s14 =	simm.s32 $0x9080;
	s15 =	simm.s32 $0x9880;
	s16 =	simm.s32 $0xA080  }
0x15: {  	s17 =	simm.s32 $0xA880;
	s18 =	simm.s32 $0xB080;
	s19 =	simm.s32 $0xB880  }
0x16: {  	s20 =	simm.s32 $0xC080;
	s21 =	simm.s32 $0xC880;
	s23 =	simm.s32 $0xD880  }
0x17: {  	s24 =	simm.s32 $0xE080;
	s25 =	simm.s32 $0xE880;
	s26 =	simm.s32 $0xF080  }
0x18: {  	v2 =	vlaneseq.u32;
	s1 =	simm.s32 $0x4;
	s7 =	sadd.s32 $0x2C00, s4;
	s4 =	sadd.s32 s6, s5  }
0x19: {  	vm0 =	vmmov $0xffff;
	v1 =	vshrl.u32 v2, $0x3;
	s6 =	sadd.s32 $0x200, s2;
	[dreg:$0x4] =	wrdreg s7;
	s5 =	sadd.s32 $0x1000, s4  }
0x1a: {  	v0 =	vand.u32 $0x7, v2;
	v2 =	vor.u32 $0x8, v2;
	v1 =	vmul.u32 $0x8, v1;
	s7 =	sadd.s32 $0x300, s2;
	[dreg:$0x5] =	wrdreg s5;
	s5 =	sadd.s32 $0x100, s2  }
.LBB2_1:
0x1b: {  	s0 =	rddreg [dreg:$0x4]  }
0x1c: {  	[tilespmem:s3], [sflag:$0x5] =	stream.linear.gather [hbm4b:s0+s3], $0x40, $0x38;
	[tilespmem:$0x10080] =	vst v63  }
0x1d: {  	_ =	swait.ge [sflag:s9], $0x40  }
0x1e: {  	[sflag:s9] =	ssyncset.done $0x0  }
0x1f: {  	[sflag:s9] =	ssyncadd.s32 $0xFFFFFFC0  }
0x20: {  	v3 =	vld [tilespmem:$0x0];
	_ =	sdelay $0x4  }
0x21: {  	v4 =	vshll.u32 v3, $0x3  }
0x22: {  	v3 =	vand.u32 $0x7, v3;
	v4 =	vand.u32 $0xFFFFFFC0, v4  }
0x23: {  	v3 =	vor.u32 v3, v4  }
0x24: {  	v4 =	vperm.xlane v3, v0;
	_ =	sdelay $0x1  }
0x25: {  	v4 =	vadd.s32 v1, v4;
	_ =	sdelay $0x4  }
0x26: {  	[tilespmem:s10], [sflag:$0x1] =	stream.indirect_vreg.gather [hbm4b:s2+s3], $0x80, v4, vm0, $0xb8;
	[tilespmem:$0x10080] =	vst v63  }
0x27: {  	s0 =	rddreg [dreg:$0x6];
	v3 =	vperm.xlane v3, v2  }
0x28: {  	[tilespmem:s0], [sflag:$0x1] =	stream.indirect_vreg.gather [hbm4b:s5+s3], $0x80, v4, vm0, $0xb8;
	[tilespmem:$0x10080] =	vst v63  }
0x29: {  	s11 =	rddreg [dreg:$0x7];
	v3 =	vadd.s32 v1, v3  }
0x2a: {  	[tilespmem:s11], [sflag:$0x1] =	stream.indirect_vreg.gather [hbm4b:s6+s3], $0x80, v4, vm0, $0xb8;
	[tilespmem:$0x10080] =	vst v63  }
0x2b: {  	s0 =	rddreg [dreg:$0x8]  }
0x2c: {  	[tilespmem:s0], [sflag:$0x1] =	stream.indirect_vreg.gather [hbm4b:s7+s3], $0x80, v4, vm0, $0xb8;
	[tilespmem:$0x10080] =	vst v63  }
0x2d: {  	s11 =	rddreg [dreg:$0x9]  }
0x2e: {  	[tilespmem:s11], [sflag:$0x1] =	stream.indirect_vreg.gather [hbm4b:s2+s3], $0x80, v3, vm0, $0xb8;
	[tilespmem:$0x10080] =	vst v63  }
0x2f: {  	s0 =	rddreg [dreg:$0xa]  }
0x30: {  	[tilespmem:s0], [sflag:$0x1] =	stream.indirect_vreg.gather [hbm4b:s5+s3], $0x80, v3, vm0, $0xb8;
	[tilespmem:$0x10080] =	vst v63  }
0x31: {  	s11 =	rddreg [dreg:$0xb]  }
0x32: {  	[tilespmem:s11], [sflag:$0x1] =	stream.indirect_vreg.gather [hbm4b:s6+s3], $0x80, v3, vm0, $0xb8;
	[tilespmem:$0x10080] =	vst v63  }
0x33: {  	s0 =	rddreg [dreg:$0xc]  }
0x34: {  	[tilespmem:s0], [sflag:$0x1] =	stream.indirect_vreg.gather [hbm4b:s7+s3], $0x80, v3, vm0, $0xb8;
	[tilespmem:$0x10080] =	vst v63  }
0x35: {  	v3 =	vld [tilespmem:$0x10];
	_ =	sdelay $0x4  }
0x36: {  	v61 =	vshll.u32 v3, $0x3  }
0x37: {  	v3 =	vand.u32 $0x7, v3;
	v4 =	vand.u32 $0xFFFFFFC0, v61  }
0x38: {  	v3 =	vor.u32 v3, v4  }
0x39: {  	v4 =	vperm.xlane v3, v0;
	_ =	sdelay $0x1  }
0x3a: {  	v4 =	vadd.s32 v1, v4;
	_ =	sdelay $0x3  }
0x3b: {  	s0 =	rddreg [dreg:$0xd]  }
0x3c: {  	[tilespmem:s0], [sflag:$0x1] =	stream.indirect_vreg.gather [hbm4b:s2+s3], $0x80, v4, vm0, $0xb8;
	[tilespmem:$0x10080] =	vst v63  }
0x3d: {  	s11 =	rddreg [dreg:$0xe];
	v3 =	vperm.xlane v3, v2  }
0x3e: {  	[tilespmem:s11], [sflag:$0x1] =	stream.indirect_vreg.gather [hbm4b:s5+s3], $0x80, v4, vm0, $0xb8;
	[tilespmem:$0x10080] =	vst v63  }
0x3f: {  	v3 =	vadd.s32 v1, v3;
	s0 =	rddreg [dreg:$0xf]  }
0x40: {  	[tilespmem:s0], [sflag:$0x1] =	stream.indirect_vreg.gather [hbm4b:s6+s3], $0x80, v4, vm0, $0xb8;
	[tilespmem:$0x10080] =	vst v63  }
0x41: {  	s11 =	rddreg [dreg:$0x10]  }
0x42: {  	[tilespmem:s11], [sflag:$0x1] =	stream.indirect_vreg.gather [hbm4b:s7+s3], $0x80, v4, vm0, $0xb8;
	[tilespmem:$0x10080] =	vst v63  }
0x43: {  	s0 =	rddreg [dreg:$0x11]  }
0x44: {  	[tilespmem:s0], [sflag:$0x1] =	stream.indirect_vreg.gather [hbm4b:s2+s3], $0x80, v3, vm0, $0xb8;
	[tilespmem:$0x10080] =	vst v63  }
0x45: {  	s11 =	rddreg [dreg:$0x12]  }
0x46: {  	[tilespmem:s11], [sflag:$0x1] =	stream.indirect_vreg.gather [hbm4b:s5+s3], $0x80, v3, vm0, $0xb8;
	[tilespmem:$0x10080] =	vst v63  }
0x47: {  	s0 =	rddreg [dreg:$0x13]  }
0x48: {  	[tilespmem:s0], [sflag:$0x1] =	stream.indirect_vreg.gather [hbm4b:s6+s3], $0x80, v3, vm0, $0xb8;
	[tilespmem:$0x10080] =	vst v63  }
0x49: {  	s11 =	simm.s32 $0x7880  }
0x4a: {  	[tilespmem:s11], [sflag:$0x1] =	stream.indirect_vreg.gather [hbm4b:s7+s3], $0x80, v3, vm0, $0xb8;
	[tilespmem:$0x10080] =	vst v63  }
0x4b: {  	v3 =	vld [tilespmem:$0x20];
	_ =	sdelay $0x4  }
0x4c: {  	v62 =	vshll.u32 v3, $0x3  }
0x4d: {  	v3 =	vand.u32 $0x7, v3;
	v4 =	vand.u32 $0xFFFFFFC0, v62  }
0x4e: {  	v3 =	vor.u32 v3, v4  }
0x4f: {  	v4 =	vperm.xlane v3, v0;
	_ =	sdelay $0x1  }
0x50: {  	v4 =	vadd.s32 v1, v4;
	_ =	sdelay $0x4  }
0x51: {  	[tilespmem:s12], [sflag:$0x2] =	stream.indirect_vreg.gather [hbm4b:s2+s3], $0x80, v4, vm0, $0xb8;
	[tilespmem:$0x10080] =	vst v63  }
0x52: {  	v3 =	vperm.xlane v3, v2  }
0x53: {  	[tilespmem:s13], [sflag:$0x2] =	stream.indirect_vreg.gather [hbm4b:s5+s3], $0x80, v4, vm0, $0xb8;
	[tilespmem:$0x10080] =	vst v63  }
0x54: {  	v3 =	vadd.s32 v1, v3  }
0x55: {  	[tilespmem:s14], [sflag:$0x2] =	stream.indirect_vreg.gather [hbm4b:s6+s3], $0x80, v4, vm0, $0xb8;
	[tilespmem:$0x10080] =	vst v63  }
0x56: {  	_ = 	snop  }
0x57: {  	[tilespmem:s15], [sflag:$0x2] =	stream.indirect_vreg.gather [hbm4b:s7+s3], $0x80, v4, vm0, $0xb8;
	[tilespmem:$0x10080] =	vst v63  }
0x58: {  	_ = 	snop  }
0x59: {  	[tilespmem:s16], [sflag:$0x2] =	stream.indirect_vreg.gather [hbm4b:s2+s3], $0x80, v3, vm0, $0xb8;
	[tilespmem:$0x10080] =	vst v63  }
0x5a: {  	_ = 	snop  }
0x5b: {  	[tilespmem:s17], [sflag:$0x2] =	stream.indirect_vreg.gather [hbm4b:s5+s3], $0x80, v3, vm0, $0xb8;
	[tilespmem:$0x10080] =	vst v63  }
0x5c: {  	_ = 	snop  }
0x5d: {  	[tilespmem:s18], [sflag:$0x2] =	stream.indirect_vreg.gather [hbm4b:s6+s3], $0x80, v3, vm0, $0xb8;
	[tilespmem:$0x10080] =	vst v63  }
0x5e: {  	_ = 	snop  }
0x5f: {  	[tilespmem:s19], [sflag:$0x2] =	stream.indirect_vreg.gather [hbm4b:s7+s3], $0x80, v3, vm0, $0xb8;
	[tilespmem:$0x10080] =	vst v63  }
0x60: {  	v3 =	vld [tilespmem:$0x30];
	_ =	sdelay $0x4  }
0x61: {  	v63 =	vshll.u32 v3, $0x3  }
0x62: {  	v3 =	vand.u32 $0x7, v3;
	v4 =	vand.u32 $0xFFFFFFC0, v63  }
0x63: {  	v3 =	vor.u32 v3, v4  }
0x64: {  	v4 =	vperm.xlane v3, v0;
	_ =	sdelay $0x1  }
0x65: {  	v4 =	vadd.s32 v1, v4;
	_ =	sdelay $0x4  }
0x66: {  	[tilespmem:s20], [sflag:$0x2] =	stream.indirect_vreg.gather [hbm4b:s2+s3], $0x80, v4, vm0, $0xb8;
	[tilespmem:$0x10080] =	vst v63  }
0x67: {  	v3 =	vperm.xlane v3, v2  }
0x68: {  	[tilespmem:s21], [sflag:$0x2] =	stream.indirect_vreg.gather [hbm4b:s5+s3], $0x80, v4, vm0, $0xb8;
	[tilespmem:$0x10080] =	vst v63  }
0x69: {  	v3 =	vadd.s32 v1, v3  }
0x6a: {  	[tilespmem:s22], [sflag:$0x2] =	stream.indirect_vreg.gather [hbm4b:s6+s3], $0x80, v4, vm0, $0xb8;
	[tilespmem:$0x10080] =	vst v63  }
0x6b: {  	_ = 	snop  }
0x6c: {  	[tilespmem:s23], [sflag:$0x2] =	stream.indirect_vreg.gather [hbm4b:s7+s3], $0x80, v4, vm0, $0xb8;
	[tilespmem:$0x10080] =	vst v63  }
0x6d: {  	_ = 	snop  }
0x6e: {  	[tilespmem:s24], [sflag:$0x2] =	stream.indirect_vreg.gather [hbm4b:s2+s3], $0x80, v3, vm0, $0xb8;
	[tilespmem:$0x10080] =	vst v63  }
0x6f: {  	_ = 	snop  }
0x70: {  	[tilespmem:s25], [sflag:$0x2] =	stream.indirect_vreg.gather [hbm4b:s5+s3], $0x80, v3, vm0, $0xb8;
	[tilespmem:$0x10080] =	vst v63  }
0x71: {  	_ = 	snop  }
0x72: {  	[tilespmem:s26], [sflag:$0x2] =	stream.indirect_vreg.gather [hbm4b:s6+s3], $0x80, v3, vm0, $0xb8;
	[tilespmem:$0x10080] =	vst v63  }
0x73: {  	_ = 	snop  }
0x74: {  	[tilespmem:s28], [sflag:$0x2] =	stream.indirect_vreg.gather [hbm4b:s7+s3], $0x80, v3, vm0, $0xb8;
	[tilespmem:$0x10080] =	vst v63  }
0x75: {  	_ =	swait.ge [sflag:s29], $0x8000  }
0x76: {  	[sflag:s29] =	ssyncset.done $0x0  }
0x77: {  	[sflag:s29] =	ssyncadd.s32 $0xFFFF8000  }
0x78: {  	[hbm4b:s4+s3] =	stream.linear.scatter [tilespmem:s10], [sflag:$0x3], $0x8000, $0x38;
	[tilespmem:$0x10080] =	vst v63  }
0x79: {  	_ =	swait.ge [sflag:s30], $0x8000  }
0x7a: {  	[sflag:s30] =	ssyncset.done $0x0  }
0x7b: {  	s11 =	rddreg [dreg:$0x5];
	[sflag:s30] =	ssyncadd.s32 $0xFFFF8000  }
0x7c: {  	[hbm4b:s11+s3] =	stream.linear.scatter [tilespmem:s12], [sflag:$0x4], $0x8000, $0x38;
	[tilespmem:$0x10080] =	vst v63  }
0x7d: {  	p0 =	sne.s32 s8, $0x1;
	_ =	swait.ge [sflag:s31], $0x8000  }
.Ltmp0:
0x7e: {  	[sflag:s31] =	ssyncset.done $0x0;
	(pc) =	sbr.rel @p0 .LBB2_1-.Ltmp0, $4  }
0x7f: {  	[sflag:s31] =	ssyncadd.s32 $0xFFFF8000  }
0x80: {  	_ =	swait.ge [sflag:s1], $0x8000  }
0x81: {  	[sflag:s1] =	ssyncset.done $0x0  }
0x82: {  	s8 =	sadd.s32 $0xFFFFFFFF, s8;
	[sflag:s1] =	ssyncadd.s32 $0xFFFF8000  }
0x83: {  	_ =	sfence.sel $0x180000  }
0x84: {  	[bflag:$0x0] =	sbarrier.arrive $0xFFFF  }
0x85: {  	_ =	strace $0x90000047  }
0x86: {  	s0 =	stileid.u32;
	[bflag:$0x2] =	sbarrier.arrive $0xFFFF  }
0x87: {  	p0 =	sne.s32 s0, $0x0;
	s0 =	rddreg [dreg:$0x3]  }
0x88: {  	s0 =	sadd.s32 @!p0 $0x100000, s0  }
0x89: {  	[sflag:s0] =	ssyncadd.tile.s32 @!p0 $0x1;
	_ =	shalt  }
.Lfunc_end2:
_tile_overlayer_lowered:
.L_overlay_start_2:
0x8a: {  	(tag) =	ssettag $0x2  }
0x8b: {  	s0 =	rddreg [dreg:$0x0];
	s2 =	stileid.u32  }
0x8c: {  	s1 =	rddreg [dreg:$0x1];
	p0 =	sne.s32 s2, $0x0  }
0x8d: {  	s3 =	rddreg [dreg:$0x2];
	[bflag:$0x3] =	sbarrier.arrive $0xFFFF;
	s2 =	simm.s32 @!p0 $0x1C05  }
0x8e: {  	[timem:s3], [sflag:s2] =	dma.local @!p0 [hbm:s0], s1  }
0x8f: {  	s0 =	simm.s32 @!p0 $0x5  }
0x90: {  	_ =	swait.ge @!p0 [sflag:s0], s1  }
0x91: {  	s1 =	ssub.s32 @!p0 $0x0, s1;
	[sflag:s0] =	ssyncset.done @!p0 $0x0  }
0x92: {  	[sflag:s0] =	ssyncadd.s32 @!p0 s1  }
0x93: {  	[bflag:$0x3] =	sbarrier.arrive $0xFFFF  }
0x94: {  	_ =	shalt  }

// kernel: kernel.13.cloned.1.call-start
scs
__scs_entry_jumppad:
0x0: {  	(pc) =	sbr.rel $0x88, $3  }
0x1: {  	(tag) =	ssettag $0x0;
	lr =	simm.s32 $0x1  }
0x2: {  	[smem:$0x3F9C] =	sst lr;
	_ =	strace $0xD0000000  }
0x3: {  	_ = 	snop  }
0x4: {  	_ = 	snop  }
0x5: {  	_ = 	snop  }
0x6: {  	_ = 	snop  }
0x7: {  	_ = 	snop  }
__scs_overlays_trampoline_lowered:
0x8: {  	[smem:$0x3FAB] =	sst s0  }
0x9: {  	[smem:$0x3FAC] =	sst s1  }
0xa: {  	[smem:$0x3FAD] =	sst s2  }
0xb: {  	[smem:$0x3FAE] =	sst s3  }
0xc: {  	[smem:$0x3FAF] =	sst s4  }
0xd: {  	[smem:$0x3FB0] =	sst s5  }
0xe: {  	[smem:$0x3FB1] =	sst s6  }
0xf: {  	[smem:$0x3FB2] =	sst s7  }
0x10: {  	[smem:$0x3FB3] =	sst s8  }
0x11: {  	[smem:$0x3FB4] =	sst s9;
	s0 =	simm.s32 @!p0 $0x0  }
0x12: {  	s1 =	sld [smem:$0x3F9A];
	s0 =	simm.s32 @p0 $0x1  }
0x13: {  	[smem:$0x3FB5] =	sst s0;
	s0 =	simm.s32 @!p1 $0x0  }
0x14: {  	s2 =	sld [smem:$0x3F99];
	s0 =	simm.s32 @p1 $0x1  }
0x15: {  	[smem:$0x3FB6] =	sst s0;
	s0 =	simm.s32 @!p2 $0x0  }
0x16: {  	s3 =	sld [smem:$0x3FDB];
	s0 =	simm.s32 @p2 $0x1  }
0x17: {  	s4 =	simm.s32 $0x1BF5;
	[smem:$0x3FB8] =	sst s0  }
0x18: {  	s0 =	sld [smem:$0x3F9B];
	_ =	swait.ge [sflag:s4], $0x0  }
0x19: {  	s7 =	sld [smem:$0x3F9C]  }
0x1a: {  	s8 =	sadd.s32 $0xFFFFE003, lr  }
0x1b: {  	s9 =	sadd.s32 $0xFFFFFEF7, lr;
	s5 =	simm.s32 $0xFFFFFFFF;
	p2 =	slt.u32 s8, $0xFFFFF086  }
0x1c: {  	p1 =	slt.u32 s9, $0xF7A;
	s5 =	simm.s32 @!p2 $0x0  }
0x1d: {  	s5 =	simm.s32 @p1 $0x1;
	p0 =	seq.s32 s7, s2  }
0x1e: {  	s7 =	smul.u32 @!p0 $0xF7A, s2;
	p2 =	seq.s32 @!p0 s5, $0x0  }
0x1f: {  	s9 =	smul.u32 $0xF7A, s1;
	s8 =	simm.s32 @!p0 $0x1BF5;
	p2 =	por !p2, p0  }
0x20: {  	[sflag:s8] =	ssyncset.s32 @!p0 $0xFFFFF086;
	s6 =	sadd.s32 @!p0 s3, s7;
	s7 =	simm.s32 @!p0 $0x108  }
0x21: {  	s3 =	sadd.s32 s3, s9;
	s6 =	sadd.s32 @!p0 $0x88, s6;
	s7 =	simm.s32 @p2 $0x1082  }
0x22: {  	[simem:s7], [sflag:s8] =	dma.local @!p0 [hbm:s6], $0xF7A  }
0x23: {  	s9 =	sor.u32 $0xD0000000, s2;
	s6 =	simm.s32 $0x108;
	_ =	swait.ge @!p0 [sflag:s8], $0x0  }
0x24: {  	s3 =	sadd.s32 $0x88, s3;
	s6 =	simm.s32 @!p1 $0x1082;
	[sflag:s4] =	ssyncset.s32 $0xFFFFF086  }
0x25: {  	[simem:s6], [sflag:s4] =	dma.local [hbm:s3], $0xF7A  }
0x26: {  	[smem:$0x3F9C] =	sst s1;
	(tag) =	ssettag s2;
	_ =	strace s9  }
0x27: {  	s1 =	sld [smem:$0x3FAC]  }
0x28: {  	s2 =	sld [smem:$0x3FAD]  }
0x29: {  	s4 =	sld [smem:$0x3FAF]  }
0x2a: {  	p0 =	seq.s32 s5, $0x0;
	s5 =	sld [smem:$0x3FB0]  }
0x2b: {  	s6 =	sld [smem:$0x3FB1]  }
0x2c: {  	s7 =	sld [smem:$0x3FB2]  }
0x2d: {  	s3 =	simm.s32 $0x108;
	s8 =	sld [smem:$0x3FB3]  }
0x2e: {  	s3 =	simm.s32 @!p0 $0x1082;
	s9 =	sld [smem:$0x3FB4]  }
0x2f: {  	lr =	sadd.s32 s0, s3;
	s0 =	sld [smem:$0x3FAB]  }
0x30: {  	s3 =	sld [smem:$0x3FAE]  }
0x31: {  	[smem:$0x3FB7] =	sst s10  }
0x32: {  	s10 =	sld [smem:$0x3FB5];
	_ =	sdelay $0x3  }
0x33: {  	p0 =	seq.s32 s10, $0x1;
	s10 =	sld [smem:$0x3FB7];
	_ =	sdelay $0x3  }
0x34: {  	[smem:$0x3FB7] =	sst s10  }
0x35: {  	s10 =	sld [smem:$0x3FB6];
	_ =	sdelay $0x3  }
0x36: {  	p1 =	seq.s32 s10, $0x1;
	s10 =	sld [smem:$0x3FB7];
	_ =	sdelay $0x3  }
0x37: {  	[smem:$0x3FB7] =	sst s10  }
0x38: {  	s10 =	sld [smem:$0x3FB8]  }
0x39: {  	_ = 	snop;
	(pc) =	sbr.ind lr, $3  }
0x3a: {  	_ = 	snop  }
0x3b: {  	_ = 	snop  }
0x3c: {  	p2 =	seq.s32 s10, $0x1;
	s10 =	sld [smem:$0x3FB7]  }
0x3d: {  	_ =	shalt  }
0x3e: {  	_ =	shalt  }
0x3f: {  	_ =	shalt  }
0x40: {  	_ =	shalt  }
0x41: {  	_ =	shalt  }
0x42: {  	_ =	shalt  }
0x43: {  	_ =	shalt  }
0x44: {  	_ =	shalt  }
0x45: {  	_ =	shalt  }
0x46: {  	_ =	shalt  }
0x47: {  	_ =	shalt  }
0x48: {  	_ =	shalt  }
0x49: {  	_ =	shalt  }
0x4a: {  	_ =	shalt  }
0x4b: {  	_ =	shalt  }
0x4c: {  	_ =	shalt  }
0x4d: {  	_ =	shalt  }
0x4e: {  	_ =	shalt  }
0x4f: {  	_ =	shalt  }
0x50: {  	_ =	shalt  }
0x51: {  	_ =	shalt  }
0x52: {  	_ =	shalt  }
0x53: {  	_ =	shalt  }
0x54: {  	_ =	shalt  }
0x55: {  	_ =	shalt  }
0x56: {  	_ =	shalt  }
0x57: {  	_ =	shalt  }
0x58: {  	_ =	shalt  }
0x59: {  	_ =	shalt  }
0x5a: {  	_ =	shalt  }
0x5b: {  	_ =	shalt  }
0x5c: {  	_ =	shalt  }
0x5d: {  	_ =	shalt  }
0x5e: {  	_ =	shalt  }
0x5f: {  	_ =	shalt  }
0x60: {  	_ =	shalt  }
0x61: {  	_ =	shalt  }
0x62: {  	_ =	shalt  }
0x63: {  	_ =	shalt  }
0x64: {  	_ =	shalt  }
0x65: {  	_ =	shalt  }
0x66: {  	_ =	shalt  }
0x67: {  	_ =	shalt  }
0x68: {  	_ =	shalt  }
0x69: {  	_ =	shalt  }
0x6a: {  	_ =	shalt  }
0x6b: {  	_ =	shalt  }
0x6c: {  	_ =	shalt  }
0x6d: {  	_ =	shalt  }
0x6e: {  	_ =	shalt  }
0x6f: {  	_ =	shalt  }
0x70: {  	_ =	shalt  }
0x71: {  	_ =	shalt  }
0x72: {  	_ =	shalt  }
0x73: {  	_ =	shalt  }
0x74: {  	_ =	shalt  }
0x75: {  	_ =	shalt  }
0x76: {  	_ =	shalt  }
0x77: {  	_ =	shalt  }
0x78: {  	_ =	shalt  }
0x79: {  	_ =	shalt  }
0x7a: {  	_ =	shalt  }
0x7b: {  	_ =	shalt  }
0x7c: {  	_ =	shalt  }
0x7d: {  	_ =	shalt  }
0x7e: {  	_ =	shalt  }
0x7f: {  	_ =	shalt  }
0x80: {  	_ =	shalt  }
0x81: {  	_ =	shalt  }
0x82: {  	_ =	shalt  }
0x83: {  	_ =	shalt  }
0x84: {  	_ =	shalt  }
0x85: {  	_ =	shalt  }
0x86: {  	_ =	shalt  }
0x87: {  	_ =	shalt  }
.Lfunc_end0:
.L_simem_size_0:
called_computation.1_lowered:
.L_overlay_start_0:
0x88: {  	s2 =	sld [smem:$0x3FD9]  }
0x89: {  	s3 =	sld [smem:$0x3FFE];
	_ =	sdelay $0x1  }
0x8a: {  	s1 =	srdreg.scid  }
0x8b: {  	s0 =	sand.u32 $0x1, s1  }
0x8c: {  	s17 =	sshll.u32 s0, $0xA;
	s2 =	sadd.s32 s3, s2  }
0x8d: {  	s2 =	sadd.s32 s2, s17  }
0x8e: {  	[smem:$0x3FC3] =	sst s2  }
0x8f: {  	_ = 	snop  }
0x90: {  	s18 =	sld [smem:$0x3FC8];
	(tm) =	ssettm $0x1  }
0x91: {  	s19 =	sld [smem:$0x3FFB];
	_ =	sdelay $0x3  }
0x92: {  	_ =	strace s19  }
0x93: {  	s2 =	sld [smem:$0x3FFC];
	_ =	sdelay $0x3  }
0x94: {  	_ =	strace s2  }
0x95: {  	s2 =	sld [smem:$0x3FFD];
	_ =	sdelay $0x3  }
0x96: {  	_ =	strace s2  }
0x97: {  	_ =	strace $0x8FFFFFFF  }
0x98: {  	s20 =	sld [smem:$0x3FDB];
	_ =	sdelay $0x1  }
0x99: {  	s4 =	simm.s32 $_scs_section_size  }
0x9a: {  	s5 =	simm.s32 $_size__tile_overlayer_lowered;
	s6 =	simm.s32 $_tile_overlayer_lowered  }
0x9b: {  	s7 =	simm.s32 $0x1BFF;
	s21 =	sshll.u32 s6, $0x1;
	s4 =	sadd.s32 s4, s20  }
0x9c: {  	s22 =	simm.s32 $0x0;
	s5 =	sshll.u32 s5, $0x1;
	s6 =	sadd.s32 s21, s4  }
0x9d: {  	[timem:s22], [sflag:s7] =	dma.local [hbm:s6], s5  }
0x9e: {  	_ =	swait.ge [sflag:s7], s5  }
0x9f: {  	s5 =	ssub.s32 $0x0, s5;
	[sflag:s7] =	ssyncset.done $0x0  }
0xa0: {  	[sflag:s7] =	ssyncadd.s32 s5;
	_ =	sdelay $0x1  }
0xa1: {  	s23 =	simm.s32 $0x1B8B  }
0xa2: {  	_ =	swait.ge [sflag:s23], $0x1  }
0xa3: {  	[sflag:s23] =	ssyncset.done $0x0  }
0xa4: {  	[sflag:s23] =	ssyncadd.s32 $0xFFFFFFFF  }
0xa5: {  	s5 =	sld [smem:$0x0]  }
0xa6: {  	s6 =	sand.u32 $0xFFFFFFFE, s1  }
0xa7: {  	p0 =	sne.s32 s1, s6  }
0xa8: {  	s6 =	sshll.u32 @p0 s6, $0xE  }
0xa9: {  	s6 =	sadd.s32 @p0 $0x11B8D, s6;
	s7 =	sshll.u32 @p0 s5, $0x11  }
0xaa: {  	s6 =	sor.u32 @p0 s7, s6  }
0xab: {  	[sflag:s6] =	ssyncadd.remote.s32 @p0 $0x1;
	_ =	sdelay $0x1  }
0xac: {  	s6 =	simm.s32 @p0 $0x1B8D  }
0xad: {  	_ =	swait.eq @p0 [sflag:s6], $0x1  }
0xae: {  	[sflag:s6] =	ssyncadd.s32 @p0 $0xFFFFFFFF  }
0xaf: {  	s7 =	sshll.u32 @!p0 s1, $0xE  }
0xb0: {  	s7 =	sor.u32 @!p0 $0x4000, s7;
	s6 =	simm.s32 @!p0 $0x1B8D  }
0xb1: {  	s5 =	sshll.u32 @!p0 s5, $0x11;
	s7 =	sadd.s32 @!p0 $0x11B8D, s7;
	_ =	swait.eq @!p0 [sflag:s6], $0x1  }
0xb2: {  	s5 =	sor.u32 @!p0 s5, s7;
	[sflag:s6] =	ssyncadd.s32 @!p0 $0xFFFFFFFF  }
0xb3: {  	s25 =	simm.s32 $0x1B8E;
	s24 =	sld [smem:$0x3FFE];
	[sflag:s5] =	ssyncadd.remote.s32 @!p0 $0x1  }
0xb4: {  	s26 =	simm.s32 $execute0_lowered;
	[smem:$0x3FD2] =	sst s25  }
0xb5: {  	s6 =	sshll.u32 s26, $0x1;
	_ =	strace $0x80000049;
	[dreg:$0x1] =	wrdreg $0xFFFFFFFF  }
0xb6: {  	s28 =	simm.s32 $_size_execute0_lowered;
	s4 =	sadd.s32 s4, s6;
	[dreg:$0x0] =	wrdreg $0x0  }
0xb7: {  	s6 =	sshll.u32 s28, $0x1;
	[dreg:$0x2] =	wrdreg s4  }
0xb8: {  	[dreg:$0x3] =	wrdreg s6  }
0xb9: {  	[dreg:$0x4] =	wrdreg $0xC0  }
0xba: {  	_ =	task [dreg:s22], $0x5FFFF  }
0xbb: {  	[dreg:$0x1] =	wrdreg $0xFFFFFFFF  }
0xbc: {  	[dreg:$0x0] =	wrdreg $0x60  }
0xbd: {  	[dreg:$0x2] =	wrdreg s24  }
0xbe: {  	[dreg:$0x3] =	wrdreg s18  }
0xbf: {  	[dreg:$0x4] =	wrdreg $0xA  }
0xc0: {  	_ =	task.clear_ibuf [dreg:s22], $0x5FFFF;
	_ =	strace $0x90000049  }
0xc1: {  	s29 =	simm.s32 $0xA;
	_ =	strace $0x8000004B  }
0xc2: {  	_ =	swait.ge [sflag:s29], $0x1  }
0xc3: {  	[sflag:s29] =	ssyncadd.s32 $0xFFFFFFFF  }
0xc4: {  	_ =	strace $0x9000004B  }
0xc5: {  	_ =	sfence  }
0xc6: {  	s30 =	sld [smem:$0x0];
	_ =	sdelay $0x2  }
0xc7: {  	s31 =	sshll.u32 s1, $0xD;
	s1 =	sshrl.u32 s1, $0x2  }
0xc8: {  	s4 =	sand.u32 $0x4000, s31;
	s1 =	sadd.s32 s1, s30  }
0xc9: {  	s0 =	sor.u32 s4, s0;
	s1 =	sshll.u32 s1, $0x11  }
0xca: {  	s0 =	sor.u32 s1, s0  }
0xcb: {  	s0 =	sadd.s32 $0x8F2B, s0  }
0xcc: {  	[sflag:s0] =	ssyncadd.remote.s32 $0x1  }
0xcd: {  	_ =	sfence.sel $0xFFFF  }
0xce: {  	[dreg:$0x0] =	wrdreg $0xFFFFFFFF;
	(pc) =	sbr.abs _section_cstart, $3  }
0xcf: {  	[dreg:$0x1] =	wrdreg $0xFFFFFFFF  }
0xd0: {  	_ =	task.clear_ibuf [dreg:s22], $0x2FFFF;
	_ =	strace $0x9FFFFFFF  }
0xd1: {  	(tm) =	ssettm $0x7FFFFFFF  }
tec
execute0_lowered:
.L_overlay_start_1:
0x0: {  	(tag) =	ssettag $0x1  }
0x1: {  	s1 =	srdreg.scid;
	s4 =	rddreg [dreg:$0x0]  }
0x2: {  	s0 =	stileid.u32;
	s2 =	rddreg [dreg:$0x1];
	s15 =	simm.s32 $0x880  }
0x3: {  	s16 =	simm.s32 $0x1080;
	s17 =	simm.s32 $0x1880;
	s1 =	sand.u32 $0x1, s1  }
0x4: {  	s18 =	simm.s32 $0x2080;
	s3 =	sshll.u32 s0, $0x7;
	s5 =	sshll.u32 s1, $0x6  }
0x5: {  	s19 =	simm.s32 $0x2880;
	s5 =	sor.u32 s5, s3;
	s3 =	simm.s32 $0x0  }
0x6: {  	s20 =	simm.s32 $0x3080;
	s22 =	simm.s32 $0x3880;
	[smem:$0x7FF] =	sst s3  }
0x7: {  	s23 =	simm.s32 $0x4080;
	_ =	strace $0x8000004A;
	[dreg:$0x6] =	wrdreg s15  }
0x8: {  	s24 =	simm.s32 $0x4880;
	s7 =	simm.s32 $0x5080;
	[dreg:$0x7] =	wrdreg s16  }
0x9: {  	s8 =	simm.s32 $0x5880;
	s25 =	simm.s32 $0x6080;
	[dreg:$0x8] =	wrdreg s17  }
0xa: {  	s26 =	simm.s32 $0x6880;
	s9 =	simm.s32 $0x80;
	[dreg:$0x9] =	wrdreg s18  }
0xb: {  	s11 =	simm.s32 $0x7880;
	s12 =	simm.s32 $0x8080;
	[dreg:$0xa] =	wrdreg s19  }
0xc: {  	s28 =	simm.s32 $0xF880;
	s29 =	simm.s32 $0x1;
	[dreg:$0xb] =	wrdreg s20  }
0xd: {  	s30 =	simm.s32 $0x2;
	s1 =	ssub.s32 $0x2, s1;
	[dreg:$0xc] =	wrdreg s22  }
0xe: {  	s31 =	simm.s32 $0x3;
	s21 =	sshrl.u32 s1, $0x1;
	[dreg:$0xd] =	wrdreg s23  }
0xf: {  	s6 =	sshrl.u32 s5, $0x3;
	s5 =	sshll.u32 s5, $0x7;
	[dreg:$0xe] =	wrdreg s24  }
0x10: {  	s1 =	ssub.s32 s1, s21;
	s21 =	simm.s32 $0xC880;
	[dreg:$0xf] =	wrdreg s7  }
0x11: {  	s6 =	sadd.s32 s6, s4;
	s4 =	sadd.s32 s5, s4;
	[dreg:$0x10] =	wrdreg s8  }
0x12: {  	s5 =	sadd.s32 $0x200, s2;
	s7 =	smax.u32 s1, $0x1;
	[dreg:$0x11] =	wrdreg s25  }
0x13: {  	s8 =	simm.s32 $0x5;
	[dreg:$0x12] =	wrdreg s26;
	s15 =	simm.s32 $0x9880  }
0x14: {  	s16 =	simm.s32 $0xA080;
	s17 =	simm.s32 $0xA880;
	s18 =	simm.s32 $0xB080  }
0x15: {  	s19 =	simm.s32 $0xB880;
	s20 =	simm.s32 $0xC080;
	s22 =	simm.s32 $0xD080  }
0x16: {  	s23 =	simm.s32 $0xD880;
	s24 =	simm.s32 $0xE080;
	s13 =	sadd.s32 $0x2600, s6  }
0x17: {  	s25 =	simm.s32 $0xE880;
	s14 =	sadd.s32 $0x2E00, s4;
	[dreg:$0x3] =	wrdreg s13  }
0x18: {  	v2 =	vlaneseq.u32;
	s26 =	simm.s32 $0xF080;
	s4 =	sadd.s32 $0x3E00, s4;
	[dreg:$0x4] =	wrdreg s14  }
0x19: {  	vm0 =	vmmov $0xffff;
	v1 =	vshrl.u32 v2, $0x3;
	s1 =	simm.s32 $0x4;
	s6 =	sadd.s32 $0x300, s2;
	[dreg:$0x5] =	wrdreg s4  }
0x1a: {  	v0 =	vand.u32 $0x7, v2;
	v2 =	vor.u32 $0x8, v2;
	v1 =	vmul.u32 $0x8, v1;
	s4 =	sadd.s32 $0x100, s2;
	s13 =	simm.s32 $0x8880;
	s14 =	simm.s32 $0x9080  }
.LBB2_1:
0x1b: {  	s0 =	rddreg [dreg:$0x3]  }
0x1c: {  	[tilespmem:s3], [sflag:$0x5] =	stream.linear.gather [hbm4b:s0+s3], $0x40, $0x38;
	[tilespmem:$0x10080] =	vst v63  }
0x1d: {  	_ =	swait.ge [sflag:s8], $0x40  }
0x1e: {  	[sflag:s8] =	ssyncset.done $0x0  }
0x1f: {  	[sflag:s8] =	ssyncadd.s32 $0xFFFFFFC0  }
0x20: {  	v3 =	vld [tilespmem:$0x0];
	_ =	sdelay $0x4  }
0x21: {  	v4 =	vshll.u32 v3, $0x3  }
0x22: {  	v3 =	vand.u32 $0x7, v3;
	v4 =	vand.u32 $0xFFFFFFC0, v4  }
0x23: {  	v3 =	vor.u32 v3, v4  }
0x24: {  	v4 =	vperm.xlane v3, v0;
	_ =	sdelay $0x1  }
0x25: {  	v4 =	vadd.s32 v1, v4;
	_ =	sdelay $0x4  }
0x26: {  	[tilespmem:s9], [sflag:$0x1] =	stream.indirect_vreg.gather [hbm4b:s2+s3], $0x80, v4, vm0, $0xb8;
	[tilespmem:$0x10080] =	vst v63  }
0x27: {  	s0 =	rddreg [dreg:$0x6];
	v3 =	vperm.xlane v3, v2  }
0x28: {  	[tilespmem:s0], [sflag:$0x1] =	stream.indirect_vreg.gather [hbm4b:s4+s3], $0x80, v4, vm0, $0xb8;
	[tilespmem:$0x10080] =	vst v63  }
0x29: {  	s10 =	rddreg [dreg:$0x7];
	v3 =	vadd.s32 v1, v3  }
0x2a: {  	[tilespmem:s10], [sflag:$0x1] =	stream.indirect_vreg.gather [hbm4b:s5+s3], $0x80, v4, vm0, $0xb8;
	[tilespmem:$0x10080] =	vst v63  }
0x2b: {  	s0 =	rddreg [dreg:$0x8]  }
0x2c: {  	[tilespmem:s0], [sflag:$0x1] =	stream.indirect_vreg.gather [hbm4b:s6+s3], $0x80, v4, vm0, $0xb8;
	[tilespmem:$0x10080] =	vst v63  }
0x2d: {  	s10 =	rddreg [dreg:$0x9]  }
0x2e: {  	[tilespmem:s10], [sflag:$0x1] =	stream.indirect_vreg.gather [hbm4b:s2+s3], $0x80, v3, vm0, $0xb8;
	[tilespmem:$0x10080] =	vst v63  }
0x2f: {  	s0 =	rddreg [dreg:$0xa]  }
0x30: {  	[tilespmem:s0], [sflag:$0x1] =	stream.indirect_vreg.gather [hbm4b:s4+s3], $0x80, v3, vm0, $0xb8;
	[tilespmem:$0x10080] =	vst v63  }
0x31: {  	s10 =	rddreg [dreg:$0xb]  }
0x32: {  	[tilespmem:s10], [sflag:$0x1] =	stream.indirect_vreg.gather [hbm4b:s5+s3], $0x80, v3, vm0, $0xb8;
	[tilespmem:$0x10080] =	vst v63  }
0x33: {  	s0 =	rddreg [dreg:$0xc]  }
0x34: {  	[tilespmem:s0], [sflag:$0x1] =	stream.indirect_vreg.gather [hbm4b:s6+s3], $0x80, v3, vm0, $0xb8;
	[tilespmem:$0x10080] =	vst v63  }
0x35: {  	v3 =	vld [tilespmem:$0x10];
	_ =	sdelay $0x4  }
0x36: {  	v61 =	vshll.u32 v3, $0x3  }
0x37: {  	v3 =	vand.u32 $0x7, v3;
	v4 =	vand.u32 $0xFFFFFFC0, v61  }
0x38: {  	v3 =	vor.u32 v3, v4  }
0x39: {  	v4 =	vperm.xlane v3, v0;
	_ =	sdelay $0x1  }
0x3a: {  	v4 =	vadd.s32 v1, v4;
	_ =	sdelay $0x3  }
0x3b: {  	s0 =	rddreg [dreg:$0xd]  }
0x3c: {  	[tilespmem:s0], [sflag:$0x1] =	stream.indirect_vreg.gather [hbm4b:s2+s3], $0x80, v4, vm0, $0xb8;
	[tilespmem:$0x10080] =	vst v63  }
0x3d: {  	s10 =	rddreg [dreg:$0xe];
	v3 =	vperm.xlane v3, v2  }
0x3e: {  	[tilespmem:s10], [sflag:$0x1] =	stream.indirect_vreg.gather [hbm4b:s4+s3], $0x80, v4, vm0, $0xb8;
	[tilespmem:$0x10080] =	vst v63  }
0x3f: {  	v3 =	vadd.s32 v1, v3;
	s0 =	rddreg [dreg:$0xf]  }
0x40: {  	[tilespmem:s0], [sflag:$0x1] =	stream.indirect_vreg.gather [hbm4b:s5+s3], $0x80, v4, vm0, $0xb8;
	[tilespmem:$0x10080] =	vst v63  }
0x41: {  	s10 =	rddreg [dreg:$0x10]  }
0x42: {  	[tilespmem:s10], [sflag:$0x1] =	stream.indirect_vreg.gather [hbm4b:s6+s3], $0x80, v4, vm0, $0xb8;
	[tilespmem:$0x10080] =	vst v63  }
0x43: {  	s0 =	rddreg [dreg:$0x11]  }
0x44: {  	[tilespmem:s0], [sflag:$0x1] =	stream.indirect_vreg.gather [hbm4b:s2+s3], $0x80, v3, vm0, $0xb8;
	[tilespmem:$0x10080] =	vst v63  }
0x45: {  	s10 =	rddreg [dreg:$0x12]  }
0x46: {  	[tilespmem:s10], [sflag:$0x1] =	stream.indirect_vreg.gather [hbm4b:s4+s3], $0x80, v3, vm0, $0xb8;
	[tilespmem:$0x10080] =	vst v63  }
0x47: {  	s10 =	simm.s32 $0x7080  }
0x48: {  	[tilespmem:s10], [sflag:$0x1] =	stream.indirect_vreg.gather [hbm4b:s5+s3], $0x80, v3, vm0, $0xb8;
	[tilespmem:$0x10080] =	vst v63  }
0x49: {  	_ = 	snop  }
0x4a: {  	[tilespmem:s11], [sflag:$0x1] =	stream.indirect_vreg.gather [hbm4b:s6+s3], $0x80, v3, vm0, $0xb8;
	[tilespmem:$0x10080] =	vst v63  }
0x4b: {  	v3 =	vld [tilespmem:$0x20];
	_ =	sdelay $0x4  }
0x4c: {  	v62 =	vshll.u32 v3, $0x3  }
0x4d: {  	v3 =	vand.u32 $0x7, v3;
	v4 =	vand.u32 $0xFFFFFFC0, v62  }
0x4e: {  	v3 =	vor.u32 v3, v4  }
0x4f: {  	v4 =	vperm.xlane v3, v0;
	_ =	sdelay $0x1  }
0x50: {  	v4 =	vadd.s32 v1, v4;
	_ =	sdelay $0x4  }
0x51: {  	[tilespmem:s12], [sflag:$0x2] =	stream.indirect_vreg.gather [hbm4b:s2+s3], $0x80, v4, vm0, $0xb8;
	[tilespmem:$0x10080] =	vst v63  }
0x52: {  	v3 =	vperm.xlane v3, v2  }
0x53: {  	[tilespmem:s13], [sflag:$0x2] =	stream.indirect_vreg.gather [hbm4b:s4+s3], $0x80, v4, vm0, $0xb8;
	[tilespmem:$0x10080] =	vst v63  }
0x54: {  	v3 =	vadd.s32 v1, v3  }
0x55: {  	[tilespmem:s14], [sflag:$0x2] =	stream.indirect_vreg.gather [hbm4b:s5+s3], $0x80, v4, vm0, $0xb8;
	[tilespmem:$0x10080] =	vst v63  }
0x56: {  	_ = 	snop  }
0x57: {  	[tilespmem:s15], [sflag:$0x2] =	stream.indirect_vreg.gather [hbm4b:s6+s3], $0x80, v4, vm0, $0xb8;
	[tilespmem:$0x10080] =	vst v63  }
0x58: {  	_ = 	snop  }
0x59: {  	[tilespmem:s16], [sflag:$0x2] =	stream.indirect_vreg.gather [hbm4b:s2+s3], $0x80, v3, vm0, $0xb8;
	[tilespmem:$0x10080] =	vst v63  }
0x5a: {  	_ = 	snop  }
0x5b: {  	[tilespmem:s17], [sflag:$0x2] =	stream.indirect_vreg.gather [hbm4b:s4+s3], $0x80, v3, vm0, $0xb8;
	[tilespmem:$0x10080] =	vst v63  }
0x5c: {  	_ = 	snop  }
0x5d: {  	[tilespmem:s18], [sflag:$0x2] =	stream.indirect_vreg.gather [hbm4b:s5+s3], $0x80, v3, vm0, $0xb8;
	[tilespmem:$0x10080] =	vst v63  }
0x5e: {  	_ = 	snop  }
0x5f: {  	[tilespmem:s19], [sflag:$0x2] =	stream.indirect_vreg.gather [hbm4b:s6+s3], $0x80, v3, vm0, $0xb8;
	[tilespmem:$0x10080] =	vst v63  }
0x60: {  	v3 =	vld [tilespmem:$0x30];
	_ =	sdelay $0x4  }
0x61: {  	v63 =	vshll.u32 v3, $0x3  }
0x62: {  	v3 =	vand.u32 $0x7, v3;
	v4 =	vand.u32 $0xFFFFFFC0, v63  }
0x63: {  	v3 =	vor.u32 v3, v4  }
0x64: {  	v4 =	vperm.xlane v3, v0;
	_ =	sdelay $0x1  }
0x65: {  	v4 =	vadd.s32 v1, v4;
	_ =	sdelay $0x4  }
0x66: {  	[tilespmem:s20], [sflag:$0x2] =	stream.indirect_vreg.gather [hbm4b:s2+s3], $0x80, v4, vm0, $0xb8;
	[tilespmem:$0x10080] =	vst v63  }
0x67: {  	v3 =	vperm.xlane v3, v2  }
0x68: {  	[tilespmem:s21], [sflag:$0x2] =	stream.indirect_vreg.gather [hbm4b:s4+s3], $0x80, v4, vm0, $0xb8;
	[tilespmem:$0x10080] =	vst v63  }
0x69: {  	v3 =	vadd.s32 v1, v3  }
0x6a: {  	[tilespmem:s22], [sflag:$0x2] =	stream.indirect_vreg.gather [hbm4b:s5+s3], $0x80, v4, vm0, $0xb8;
	[tilespmem:$0x10080] =	vst v63  }
0x6b: {  	_ = 	snop  }
0x6c: {  	[tilespmem:s23], [sflag:$0x2] =	stream.indirect_vreg.gather [hbm4b:s6+s3], $0x80, v4, vm0, $0xb8;
	[tilespmem:$0x10080] =	vst v63  }
0x6d: {  	_ = 	snop  }
0x6e: {  	[tilespmem:s24], [sflag:$0x2] =	stream.indirect_vreg.gather [hbm4b:s2+s3], $0x80, v3, vm0, $0xb8;
	[tilespmem:$0x10080] =	vst v63  }
0x6f: {  	_ = 	snop  }
0x70: {  	[tilespmem:s25], [sflag:$0x2] =	stream.indirect_vreg.gather [hbm4b:s4+s3], $0x80, v3, vm0, $0xb8;
	[tilespmem:$0x10080] =	vst v63  }
0x71: {  	_ = 	snop  }
0x72: {  	[tilespmem:s26], [sflag:$0x2] =	stream.indirect_vreg.gather [hbm4b:s5+s3], $0x80, v3, vm0, $0xb8;
	[tilespmem:$0x10080] =	vst v63  }
0x73: {  	_ = 	snop  }
0x74: {  	[tilespmem:s28], [sflag:$0x2] =	stream.indirect_vreg.gather [hbm4b:s6+s3], $0x80, v3, vm0, $0xb8;
	[tilespmem:$0x10080] =	vst v63  }
0x75: {  	_ =	swait.ge [sflag:s29], $0x8000  }
0x76: {  	[sflag:s29] =	ssyncset.done $0x0  }
0x77: {  	s10 =	rddreg [dreg:$0x4];
	[sflag:s29] =	ssyncadd.s32 $0xFFFF8000  }
0x78: {  	[hbm4b:s10+s3] =	stream.linear.scatter [tilespmem:s9], [sflag:$0x3], $0x8000, $0x38;
	[tilespmem:$0x10080] =	vst v63  }
0x79: {  	_ =	swait.ge [sflag:s30], $0x8000  }
0x7a: {  	[sflag:s30] =	ssyncset.done $0x0  }
0x7b: {  	s10 =	rddreg [dreg:$0x5];
	[sflag:s30] =	ssyncadd.s32 $0xFFFF8000  }
0x7c: {  	[hbm4b:s10+s3] =	stream.linear.scatter [tilespmem:s12], [sflag:$0x4], $0x8000, $0x38;
	[tilespmem:$0x10080] =	vst v63  }
0x7d: {  	p0 =	sne.s32 s7, $0x1;
	_ =	swait.ge [sflag:s31], $0x8000  }
.Ltmp0:
0x7e: {  	[sflag:s31] =	ssyncset.done $0x0;
	(pc) =	sbr.rel @p0 .LBB2_1-.Ltmp0, $4  }
0x7f: {  	[sflag:s31] =	ssyncadd.s32 $0xFFFF8000  }
0x80: {  	_ =	swait.ge [sflag:s1], $0x8000  }
0x81: {  	[sflag:s1] =	ssyncset.done $0x0  }
0x82: {  	s7 =	sadd.s32 $0xFFFFFFFF, s7;
	[sflag:s1] =	ssyncadd.s32 $0xFFFF8000  }
0x83: {  	_ =	sfence.sel $0x180000  }
0x84: {  	[bflag:$0x0] =	sbarrier.arrive $0xFFFF  }
0x85: {  	_ =	strace $0x9000004A  }
0x86: {  	s0 =	stileid.u32;
	[bflag:$0x2] =	sbarrier.arrive $0xFFFF  }
0x87: {  	p0 =	sne.s32 s0, $0x0;
	s0 =	rddreg [dreg:$0x2]  }
0x88: {  	s0 =	sadd.s32 @!p0 $0x100000, s0  }
0x89: {  	[sflag:s0] =	ssyncadd.tile.s32 @!p0 $0x1;
	_ =	shalt  }
.Lfunc_end2:
_tile_overlayer_lowered:
.L_overlay_start_2:
0x8a: {  	(tag) =	ssettag $0x2  }
0x8b: {  	s0 =	rddreg [dreg:$0x0];
	s2 =	stileid.u32  }
0x8c: {  	s1 =	rddreg [dreg:$0x1];
	p0 =	sne.s32 s2, $0x0  }
0x8d: {  	s3 =	rddreg [dreg:$0x2];
	[bflag:$0x3] =	sbarrier.arrive $0xFFFF;
	s2 =	simm.s32 @!p0 $0x1C05  }
0x8e: {  	[timem:s3], [sflag:s2] =	dma.local @!p0 [hbm:s0], s1  }
0x8f: {  	s0 =	simm.s32 @!p0 $0x5  }
0x90: {  	_ =	swait.ge @!p0 [sflag:s0], s1  }
0x91: {  	s1 =	ssub.s32 @!p0 $0x0, s1;
	[sflag:s0] =	ssyncset.done @!p0 $0x0  }
0x92: {  	[sflag:s0] =	ssyncadd.s32 @!p0 s1  }
0x93: {  	[bflag:$0x3] =	sbarrier.arrive $0xFFFF  }
0x94: {  	_ =	shalt  }

// kernel: kernel.16.cloned.1.call-start
scs
__scs_entry_jumppad:
0x0: {  	(pc) =	sbr.rel $0x88, $3  }
0x1: {  	(tag) =	ssettag $0x0;
	lr =	simm.s32 $0x1  }
0x2: {  	[smem:$0x3F9C] =	sst lr;
	_ =	strace $0xD0000000  }
0x3: {  	_ = 	snop  }
0x4: {  	_ = 	snop  }
0x5: {  	_ = 	snop  }
0x6: {  	_ = 	snop  }
0x7: {  	_ = 	snop  }
__scs_overlays_trampoline_lowered:
0x8: {  	[smem:$0x3FAB] =	sst s0  }
0x9: {  	[smem:$0x3FAC] =	sst s1  }
0xa: {  	[smem:$0x3FAD] =	sst s2  }
0xb: {  	[smem:$0x3FAE] =	sst s3  }
0xc: {  	[smem:$0x3FAF] =	sst s4  }
0xd: {  	[smem:$0x3FB0] =	sst s5  }
0xe: {  	[smem:$0x3FB1] =	sst s6  }
0xf: {  	[smem:$0x3FB2] =	sst s7  }
0x10: {  	[smem:$0x3FB3] =	sst s8  }
0x11: {  	[smem:$0x3FB4] =	sst s9;
	s0 =	simm.s32 @!p0 $0x0  }
0x12: {  	s1 =	sld [smem:$0x3F9A];
	s0 =	simm.s32 @p0 $0x1  }
0x13: {  	[smem:$0x3FB5] =	sst s0;
	s0 =	simm.s32 @!p1 $0x0  }
0x14: {  	s2 =	sld [smem:$0x3F99];
	s0 =	simm.s32 @p1 $0x1  }
0x15: {  	[smem:$0x3FB6] =	sst s0;
	s0 =	simm.s32 @!p2 $0x0  }
0x16: {  	s3 =	sld [smem:$0x3FDB];
	s0 =	simm.s32 @p2 $0x1  }
0x17: {  	s4 =	simm.s32 $0x1BF5;
	[smem:$0x3FB8] =	sst s0  }
0x18: {  	s0 =	sld [smem:$0x3F9B];
	_ =	swait.ge [sflag:s4], $0x0  }
0x19: {  	s7 =	sld [smem:$0x3F9C]  }
0x1a: {  	s8 =	sadd.s32 $0xFFFFE003, lr  }
0x1b: {  	s9 =	sadd.s32 $0xFFFFFEF7, lr;
	s5 =	simm.s32 $0xFFFFFFFF;
	p2 =	slt.u32 s8, $0xFFFFF086  }
0x1c: {  	p1 =	slt.u32 s9, $0xF7A;
	s5 =	simm.s32 @!p2 $0x0  }
0x1d: {  	s5 =	simm.s32 @p1 $0x1;
	p0 =	seq.s32 s7, s2  }
0x1e: {  	s7 =	smul.u32 @!p0 $0xF7A, s2;
	p2 =	seq.s32 @!p0 s5, $0x0  }
0x1f: {  	s9 =	smul.u32 $0xF7A, s1;
	s8 =	simm.s32 @!p0 $0x1BF5;
	p2 =	por !p2, p0  }
0x20: {  	[sflag:s8] =	ssyncset.s32 @!p0 $0xFFFFF086;
	s6 =	sadd.s32 @!p0 s3, s7;
	s7 =	simm.s32 @!p0 $0x108  }
0x21: {  	s3 =	sadd.s32 s3, s9;
	s6 =	sadd.s32 @!p0 $0x88, s6;
	s7 =	simm.s32 @p2 $0x1082  }
0x22: {  	[simem:s7], [sflag:s8] =	dma.local @!p0 [hbm:s6], $0xF7A  }
0x23: {  	s9 =	sor.u32 $0xD0000000, s2;
	s6 =	simm.s32 $0x108;
	_ =	swait.ge @!p0 [sflag:s8], $0x0  }
0x24: {  	s3 =	sadd.s32 $0x88, s3;
	s6 =	simm.s32 @!p1 $0x1082;
	[sflag:s4] =	ssyncset.s32 $0xFFFFF086  }
0x25: {  	[simem:s6], [sflag:s4] =	dma.local [hbm:s3], $0xF7A  }
0x26: {  	[smem:$0x3F9C] =	sst s1;
	(tag) =	ssettag s2;
	_ =	strace s9  }
0x27: {  	s1 =	sld [smem:$0x3FAC]  }
0x28: {  	s2 =	sld [smem:$0x3FAD]  }
0x29: {  	s4 =	sld [smem:$0x3FAF]  }
0x2a: {  	p0 =	seq.s32 s5, $0x0;
	s5 =	sld [smem:$0x3FB0]  }
0x2b: {  	s6 =	sld [smem:$0x3FB1]  }
0x2c: {  	s7 =	sld [smem:$0x3FB2]  }
0x2d: {  	s3 =	simm.s32 $0x108;
	s8 =	sld [smem:$0x3FB3]  }
0x2e: {  	s3 =	simm.s32 @!p0 $0x1082;
	s9 =	sld [smem:$0x3FB4]  }
0x2f: {  	lr =	sadd.s32 s0, s3;
	s0 =	sld [smem:$0x3FAB]  }
0x30: {  	s3 =	sld [smem:$0x3FAE]  }
0x31: {  	[smem:$0x3FB7] =	sst s10  }
0x32: {  	s10 =	sld [smem:$0x3FB5];
	_ =	sdelay $0x3  }
0x33: {  	p0 =	seq.s32 s10, $0x1;
	s10 =	sld [smem:$0x3FB7];
	_ =	sdelay $0x3  }
0x34: {  	[smem:$0x3FB7] =	sst s10  }
0x35: {  	s10 =	sld [smem:$0x3FB6];
	_ =	sdelay $0x3  }
0x36: {  	p1 =	seq.s32 s10, $0x1;
	s10 =	sld [smem:$0x3FB7];
	_ =	sdelay $0x3  }
0x37: {  	[smem:$0x3FB7] =	sst s10  }
0x38: {  	s10 =	sld [smem:$0x3FB8]  }
0x39: {  	_ = 	snop;
	(pc) =	sbr.ind lr, $3  }
0x3a: {  	_ = 	snop  }
0x3b: {  	_ = 	snop  }
0x3c: {  	p2 =	seq.s32 s10, $0x1;
	s10 =	sld [smem:$0x3FB7]  }
0x3d: {  	_ =	shalt  }
0x3e: {  	_ =	shalt  }
0x3f: {  	_ =	shalt  }
0x40: {  	_ =	shalt  }
0x41: {  	_ =	shalt  }
0x42: {  	_ =	shalt  }
0x43: {  	_ =	shalt  }
0x44: {  	_ =	shalt  }
0x45: {  	_ =	shalt  }
0x46: {  	_ =	shalt  }
0x47: {  	_ =	shalt  }
0x48: {  	_ =	shalt  }
0x49: {  	_ =	shalt  }
0x4a: {  	_ =	shalt  }
0x4b: {  	_ =	shalt  }
0x4c: {  	_ =	shalt  }
0x4d: {  	_ =	shalt  }
0x4e: {  	_ =	shalt  }
0x4f: {  	_ =	shalt  }
0x50: {  	_ =	shalt  }
0x51: {  	_ =	shalt  }
0x52: {  	_ =	shalt  }
0x53: {  	_ =	shalt  }
0x54: {  	_ =	shalt  }
0x55: {  	_ =	shalt  }
0x56: {  	_ =	shalt  }
0x57: {  	_ =	shalt  }
0x58: {  	_ =	shalt  }
0x59: {  	_ =	shalt  }
0x5a: {  	_ =	shalt  }
0x5b: {  	_ =	shalt  }
0x5c: {  	_ =	shalt  }
0x5d: {  	_ =	shalt  }
0x5e: {  	_ =	shalt  }
0x5f: {  	_ =	shalt  }
0x60: {  	_ =	shalt  }
0x61: {  	_ =	shalt  }
0x62: {  	_ =	shalt  }
0x63: {  	_ =	shalt  }
0x64: {  	_ =	shalt  }
0x65: {  	_ =	shalt  }
0x66: {  	_ =	shalt  }
0x67: {  	_ =	shalt  }
0x68: {  	_ =	shalt  }
0x69: {  	_ =	shalt  }
0x6a: {  	_ =	shalt  }
0x6b: {  	_ =	shalt  }
0x6c: {  	_ =	shalt  }
0x6d: {  	_ =	shalt  }
0x6e: {  	_ =	shalt  }
0x6f: {  	_ =	shalt  }
0x70: {  	_ =	shalt  }
0x71: {  	_ =	shalt  }
0x72: {  	_ =	shalt  }
0x73: {  	_ =	shalt  }
0x74: {  	_ =	shalt  }
0x75: {  	_ =	shalt  }
0x76: {  	_ =	shalt  }
0x77: {  	_ =	shalt  }
0x78: {  	_ =	shalt  }
0x79: {  	_ =	shalt  }
0x7a: {  	_ =	shalt  }
0x7b: {  	_ =	shalt  }
0x7c: {  	_ =	shalt  }
0x7d: {  	_ =	shalt  }
0x7e: {  	_ =	shalt  }
0x7f: {  	_ =	shalt  }
0x80: {  	_ =	shalt  }
0x81: {  	_ =	shalt  }
0x82: {  	_ =	shalt  }
0x83: {  	_ =	shalt  }
0x84: {  	_ =	shalt  }
0x85: {  	_ =	shalt  }
0x86: {  	_ =	shalt  }
0x87: {  	_ =	shalt  }
.Lfunc_end0:
.L_simem_size_0:
called_computation.2_lowered:
.L_overlay_start_0:
0x88: {  	s2 =	sld [smem:$0x3FD9]  }
0x89: {  	s3 =	sld [smem:$0x3FFE];
	_ =	sdelay $0x1  }
0x8a: {  	s1 =	srdreg.scid  }
0x8b: {  	s0 =	sand.u32 $0x1, s1  }
0x8c: {  	s17 =	sshll.u32 s0, $0xA;
	s2 =	sadd.s32 s3, s2  }
0x8d: {  	s2 =	sadd.s32 s2, s17  }
0x8e: {  	[smem:$0x3FC3] =	sst s2  }
0x8f: {  	_ = 	snop  }
0x90: {  	s18 =	sld [smem:$0x3FC8];
	(tm) =	ssettm $0x1  }
0x91: {  	s19 =	sld [smem:$0x3FFB];
	_ =	sdelay $0x3  }
0x92: {  	_ =	strace s19  }
0x93: {  	s2 =	sld [smem:$0x3FFC];
	_ =	sdelay $0x3  }
0x94: {  	_ =	strace s2  }
0x95: {  	s2 =	sld [smem:$0x3FFD];
	_ =	sdelay $0x3  }
0x96: {  	_ =	strace s2  }
0x97: {  	_ =	strace $0x8FFFFFFF  }
0x98: {  	s20 =	sld [smem:$0x3FDB];
	_ =	sdelay $0x1  }
0x99: {  	s4 =	simm.s32 $_scs_section_size  }
0x9a: {  	s5 =	simm.s32 $_size__tile_overlayer_lowered;
	s6 =	simm.s32 $_tile_overlayer_lowered  }
0x9b: {  	s7 =	simm.s32 $0x1BFF;
	s21 =	sshll.u32 s6, $0x1;
	s4 =	sadd.s32 s4, s20  }
0x9c: {  	s22 =	simm.s32 $0x0;
	s5 =	sshll.u32 s5, $0x1;
	s6 =	sadd.s32 s21, s4  }
0x9d: {  	[timem:s22], [sflag:s7] =	dma.local [hbm:s6], s5  }
0x9e: {  	_ =	swait.ge [sflag:s7], s5  }
0x9f: {  	s5 =	ssub.s32 $0x0, s5;
	[sflag:s7] =	ssyncset.done $0x0  }
0xa0: {  	[sflag:s7] =	ssyncadd.s32 s5;
	_ =	sdelay $0x1  }
0xa1: {  	s23 =	simm.s32 $0x1B8B  }
0xa2: {  	_ =	swait.ge [sflag:s23], $0x1  }
0xa3: {  	[sflag:s23] =	ssyncset.done $0x0  }
0xa4: {  	[sflag:s23] =	ssyncadd.s32 $0xFFFFFFFF  }
0xa5: {  	s5 =	sld [smem:$0x0]  }
0xa6: {  	s6 =	sand.u32 $0xFFFFFFFE, s1  }
0xa7: {  	p0 =	sne.s32 s1, s6  }
0xa8: {  	s6 =	sshll.u32 @p0 s6, $0xE  }
0xa9: {  	s6 =	sadd.s32 @p0 $0x11B8D, s6;
	s7 =	sshll.u32 @p0 s5, $0x11  }
0xaa: {  	s6 =	sor.u32 @p0 s7, s6  }
0xab: {  	[sflag:s6] =	ssyncadd.remote.s32 @p0 $0x1;
	_ =	sdelay $0x1  }
0xac: {  	s6 =	simm.s32 @p0 $0x1B8D  }
0xad: {  	_ =	swait.eq @p0 [sflag:s6], $0x1  }
0xae: {  	[sflag:s6] =	ssyncadd.s32 @p0 $0xFFFFFFFF  }
0xaf: {  	s7 =	sshll.u32 @!p0 s1, $0xE  }
0xb0: {  	s7 =	sor.u32 @!p0 $0x4000, s7;
	s6 =	simm.s32 @!p0 $0x1B8D  }
0xb1: {  	s5 =	sshll.u32 @!p0 s5, $0x11;
	s7 =	sadd.s32 @!p0 $0x11B8D, s7;
	_ =	swait.eq @!p0 [sflag:s6], $0x1  }
0xb2: {  	s5 =	sor.u32 @!p0 s5, s7;
	[sflag:s6] =	ssyncadd.s32 @!p0 $0xFFFFFFFF  }
0xb3: {  	s25 =	simm.s32 $0x1B8E;
	s24 =	sld [smem:$0x3FFE];
	[sflag:s5] =	ssyncadd.remote.s32 @!p0 $0x1  }
0xb4: {  	s26 =	simm.s32 $execute0_lowered;
	[smem:$0x3FD2] =	sst s25  }
0xb5: {  	s6 =	sshll.u32 s26, $0x1;
	_ =	strace $0x8000004C;
	[dreg:$0x1] =	wrdreg $0xFFFFFFFF  }
0xb6: {  	s28 =	simm.s32 $_size_execute0_lowered;
	s4 =	sadd.s32 s4, s6;
	[dreg:$0x0] =	wrdreg $0x0  }
0xb7: {  	s6 =	sshll.u32 s28, $0x1;
	[dreg:$0x2] =	wrdreg s4  }
0xb8: {  	[dreg:$0x3] =	wrdreg s6  }
0xb9: {  	[dreg:$0x4] =	wrdreg $0xC0  }
0xba: {  	_ =	task [dreg:s22], $0x5FFFF  }
0xbb: {  	[dreg:$0x1] =	wrdreg $0xFFFFFFFF  }
0xbc: {  	[dreg:$0x0] =	wrdreg $0x60  }
0xbd: {  	[dreg:$0x2] =	wrdreg s24  }
0xbe: {  	[dreg:$0x3] =	wrdreg s18  }
0xbf: {  	[dreg:$0x4] =	wrdreg $0xB  }
0xc0: {  	_ =	task.clear_ibuf [dreg:s22], $0x5FFFF;
	_ =	strace $0x9000004C  }
0xc1: {  	s29 =	simm.s32 $0xB;
	_ =	strace $0x8000004E  }
0xc2: {  	_ =	swait.ge [sflag:s29], $0x1  }
0xc3: {  	[sflag:s29] =	ssyncadd.s32 $0xFFFFFFFF  }
0xc4: {  	_ =	strace $0x9000004E  }
0xc5: {  	_ =	sfence  }
0xc6: {  	s30 =	sld [smem:$0x0];
	_ =	sdelay $0x2  }
0xc7: {  	s31 =	sshll.u32 s1, $0xD;
	s1 =	sshrl.u32 s1, $0x2  }
0xc8: {  	s4 =	sand.u32 $0x4000, s31;
	s1 =	sadd.s32 s1, s30  }
0xc9: {  	s0 =	sor.u32 s4, s0;
	s1 =	sshll.u32 s1, $0x11  }
0xca: {  	s0 =	sor.u32 s1, s0  }
0xcb: {  	s0 =	sadd.s32 $0x8F2B, s0  }
0xcc: {  	[sflag:s0] =	ssyncadd.remote.s32 $0x1  }
0xcd: {  	_ =	sfence.sel $0xFFFF  }
0xce: {  	[dreg:$0x0] =	wrdreg $0xFFFFFFFF;
	(pc) =	sbr.abs _section_cstart, $3  }
0xcf: {  	[dreg:$0x1] =	wrdreg $0xFFFFFFFF  }
0xd0: {  	_ =	task.clear_ibuf [dreg:s22], $0x2FFFF;
	_ =	strace $0x9FFFFFFF  }
0xd1: {  	(tm) =	ssettm $0x7FFFFFFF  }
tec
execute0_lowered:
.L_overlay_start_1:
0x0: {  	(tag) =	ssettag $0x1  }
0x1: {  	s1 =	srdreg.scid;
	s4 =	rddreg [dreg:$0x0]  }
0x2: {  	s0 =	stileid.u32;
	s2 =	rddreg [dreg:$0x1];
	s15 =	simm.s32 $0x880  }
0x3: {  	s16 =	simm.s32 $0x1080;
	s17 =	simm.s32 $0x1880;
	s1 =	sand.u32 $0x1, s1  }
0x4: {  	s18 =	simm.s32 $0x2080;
	s3 =	sshll.u32 s0, $0x7;
	s5 =	sshll.u32 s1, $0x6  }
0x5: {  	s19 =	simm.s32 $0x2880;
	s5 =	sor.u32 s5, s3;
	s3 =	simm.s32 $0x0  }
0x6: {  	s20 =	simm.s32 $0x3080;
	s22 =	simm.s32 $0x3880;
	[smem:$0x7FF] =	sst s3  }
0x7: {  	s23 =	simm.s32 $0x4080;
	_ =	strace $0x8000004D;
	[dreg:$0x6] =	wrdreg s15  }
0x8: {  	s24 =	simm.s32 $0x4880;
	s7 =	simm.s32 $0x5080;
	[dreg:$0x7] =	wrdreg s16  }
0x9: {  	s8 =	simm.s32 $0x5880;
	s25 =	simm.s32 $0x6080;
	[dreg:$0x8] =	wrdreg s17  }
0xa: {  	s26 =	simm.s32 $0x6880;
	s9 =	simm.s32 $0x80;
	[dreg:$0x9] =	wrdreg s18  }
0xb: {  	s11 =	simm.s32 $0x7880;
	s12 =	simm.s32 $0x8080;
	[dreg:$0xa] =	wrdreg s19  }
0xc: {  	s28 =	simm.s32 $0xF880;
	s29 =	simm.s32 $0x1;
	[dreg:$0xb] =	wrdreg s20  }
0xd: {  	s30 =	simm.s32 $0x2;
	s1 =	ssub.s32 $0x2, s1;
	[dreg:$0xc] =	wrdreg s22  }
0xe: {  	s31 =	simm.s32 $0x3;
	s21 =	sshrl.u32 s1, $0x1;
	[dreg:$0xd] =	wrdreg s23  }
0xf: {  	s6 =	sshrl.u32 s5, $0x3;
	s5 =	sshll.u32 s5, $0x7;
	[dreg:$0xe] =	wrdreg s24  }
0x10: {  	s1 =	ssub.s32 s1, s21;
	s21 =	simm.s32 $0xC880;
	[dreg:$0xf] =	wrdreg s7  }
0x11: {  	s6 =	sadd.s32 s6, s4;
	s4 =	sadd.s32 s5, s4;
	[dreg:$0x10] =	wrdreg s8  }
0x12: {  	s5 =	sadd.s32 $0x200, s2;
	s7 =	smax.u32 s1, $0x1;
	[dreg:$0x11] =	wrdreg s25  }
0x13: {  	s8 =	simm.s32 $0x5;
	[dreg:$0x12] =	wrdreg s26;
	s15 =	simm.s32 $0x9880  }
0x14: {  	s16 =	simm.s32 $0xA080;
	s17 =	simm.s32 $0xA880;
	s18 =	simm.s32 $0xB080  }
0x15: {  	s19 =	simm.s32 $0xB880;
	s20 =	simm.s32 $0xC080;
	s22 =	simm.s32 $0xD080  }
0x16: {  	s23 =	simm.s32 $0xD880;
	s24 =	simm.s32 $0xE080;
	s13 =	sadd.s32 $0x2800, s6  }
0x17: {  	s25 =	simm.s32 $0xE880;
	s14 =	sadd.s32 $0x42E00, s4;
	[dreg:$0x3] =	wrdreg s13  }
0x18: {  	v2 =	vlaneseq.u32;
	s26 =	simm.s32 $0xF080;
	s4 =	sadd.s32 $0x43E00, s4;
	[dreg:$0x4] =	wrdreg s14  }
0x19: {  	vm0 =	vmmov $0xffff;
	v1 =	vshrl.u32 v2, $0x3;
	s1 =	simm.s32 $0x4;
	s6 =	sadd.s32 $0x300, s2;
	[dreg:$0x5] =	wrdreg s4  }
0x1a: {  	v0 =	vand.u32 $0x7, v2;
	v2 =	vor.u32 $0x8, v2;
	v1 =	vmul.u32 $0x8, v1;
	s4 =	sadd.s32 $0x100, s2;
	s13 =	simm.s32 $0x8880;
	s14 =	simm.s32 $0x9080  }
.LBB2_1:
0x1b: {  	s0 =	rddreg [dreg:$0x3]  }
0x1c: {  	[tilespmem:s3], [sflag:$0x5] =	stream.linear.gather [hbm4b:s0+s3], $0x40, $0x38;
	[tilespmem:$0x10080] =	vst v63  }
0x1d: {  	_ =	swait.ge [sflag:s8], $0x40  }
0x1e: {  	[sflag:s8] =	ssyncset.done $0x0  }
0x1f: {  	[sflag:s8] =	ssyncadd.s32 $0xFFFFFFC0  }
0x20: {  	v3 =	vld [tilespmem:$0x0];
	_ =	sdelay $0x4  }
0x21: {  	v4 =	vshll.u32 v3, $0x3  }
0x22: {  	v3 =	vand.u32 $0x7, v3;
	v4 =	vand.u32 $0xFFFFFFC0, v4  }
0x23: {  	v3 =	vor.u32 v3, v4  }
0x24: {  	v4 =	vperm.xlane v3, v0;
	_ =	sdelay $0x1  }
0x25: {  	v4 =	vadd.s32 v1, v4;
	_ =	sdelay $0x4  }
0x26: {  	[tilespmem:s9], [sflag:$0x1] =	stream.indirect_vreg.gather [hbm4b:s2+s3], $0x80, v4, vm0, $0xb8;
	[tilespmem:$0x10080] =	vst v63  }
0x27: {  	s0 =	rddreg [dreg:$0x6];
	v3 =	vperm.xlane v3, v2  }
0x28: {  	[tilespmem:s0], [sflag:$0x1] =	stream.indirect_vreg.gather [hbm4b:s4+s3], $0x80, v4, vm0, $0xb8;
	[tilespmem:$0x10080] =	vst v63  }
0x29: {  	s10 =	rddreg [dreg:$0x7];
	v3 =	vadd.s32 v1, v3  }
0x2a: {  	[tilespmem:s10], [sflag:$0x1] =	stream.indirect_vreg.gather [hbm4b:s5+s3], $0x80, v4, vm0, $0xb8;
	[tilespmem:$0x10080] =	vst v63  }
0x2b: {  	s0 =	rddreg [dreg:$0x8]  }
0x2c: {  	[tilespmem:s0], [sflag:$0x1] =	stream.indirect_vreg.gather [hbm4b:s6+s3], $0x80, v4, vm0, $0xb8;
	[tilespmem:$0x10080] =	vst v63  }
0x2d: {  	s10 =	rddreg [dreg:$0x9]  }
0x2e: {  	[tilespmem:s10], [sflag:$0x1] =	stream.indirect_vreg.gather [hbm4b:s2+s3], $0x80, v3, vm0, $0xb8;
	[tilespmem:$0x10080] =	vst v63  }
0x2f: {  	s0 =	rddreg [dreg:$0xa]  }
0x30: {  	[tilespmem:s0], [sflag:$0x1] =	stream.indirect_vreg.gather [hbm4b:s4+s3], $0x80, v3, vm0, $0xb8;
	[tilespmem:$0x10080] =	vst v63  }
0x31: {  	s10 =	rddreg [dreg:$0xb]  }
0x32: {  	[tilespmem:s10], [sflag:$0x1] =	stream.indirect_vreg.gather [hbm4b:s5+s3], $0x80, v3, vm0, $0xb8;
	[tilespmem:$0x10080] =	vst v63  }
0x33: {  	s0 =	rddreg [dreg:$0xc]  }
0x34: {  	[tilespmem:s0], [sflag:$0x1] =	stream.indirect_vreg.gather [hbm4b:s6+s3], $0x80, v3, vm0, $0xb8;
	[tilespmem:$0x10080] =	vst v63  }
0x35: {  	v3 =	vld [tilespmem:$0x10];
	_ =	sdelay $0x4  }
0x36: {  	v61 =	vshll.u32 v3, $0x3  }
0x37: {  	v3 =	vand.u32 $0x7, v3;
	v4 =	vand.u32 $0xFFFFFFC0, v61  }
0x38: {  	v3 =	vor.u32 v3, v4  }
0x39: {  	v4 =	vperm.xlane v3, v0;
	_ =	sdelay $0x1  }
0x3a: {  	v4 =	vadd.s32 v1, v4;
	_ =	sdelay $0x3  }
0x3b: {  	s0 =	rddreg [dreg:$0xd]  }
0x3c: {  	[tilespmem:s0], [sflag:$0x1] =	stream.indirect_vreg.gather [hbm4b:s2+s3], $0x80, v4, vm0, $0xb8;
	[tilespmem:$0x10080] =	vst v63  }
0x3d: {  	s10 =	rddreg [dreg:$0xe];
	v3 =	vperm.xlane v3, v2  }
0x3e: {  	[tilespmem:s10], [sflag:$0x1] =	stream.indirect_vreg.gather [hbm4b:s4+s3], $0x80, v4, vm0, $0xb8;
	[tilespmem:$0x10080] =	vst v63  }
0x3f: {  	v3 =	vadd.s32 v1, v3;
	s0 =	rddreg [dreg:$0xf]  }
0x40: {  	[tilespmem:s0], [sflag:$0x1] =	stream.indirect_vreg.gather [hbm4b:s5+s3], $0x80, v4, vm0, $0xb8;
	[tilespmem:$0x10080] =	vst v63  }
0x41: {  	s10 =	rddreg [dreg:$0x10]  }
0x42: {  	[tilespmem:s10], [sflag:$0x1] =	stream.indirect_vreg.gather [hbm4b:s6+s3], $0x80, v4, vm0, $0xb8;
	[tilespmem:$0x10080] =	vst v63  }
0x43: {  	s0 =	rddreg [dreg:$0x11]  }
0x44: {  	[tilespmem:s0], [sflag:$0x1] =	stream.indirect_vreg.gather [hbm4b:s2+s3], $0x80, v3, vm0, $0xb8;
	[tilespmem:$0x10080] =	vst v63  }
0x45: {  	s10 =	rddreg [dreg:$0x12]  }
0x46: {  	[tilespmem:s10], [sflag:$0x1] =	stream.indirect_vreg.gather [hbm4b:s4+s3], $0x80, v3, vm0, $0xb8;
	[tilespmem:$0x10080] =	vst v63  }
0x47: {  	s10 =	simm.s32 $0x7080  }
0x48: {  	[tilespmem:s10], [sflag:$0x1] =	stream.indirect_vreg.gather [hbm4b:s5+s3], $0x80, v3, vm0, $0xb8;
	[tilespmem:$0x10080] =	vst v63  }
0x49: {  	_ = 	snop  }
0x4a: {  	[tilespmem:s11], [sflag:$0x1] =	stream.indirect_vreg.gather [hbm4b:s6+s3], $0x80, v3, vm0, $0xb8;
	[tilespmem:$0x10080] =	vst v63  }
0x4b: {  	v3 =	vld [tilespmem:$0x20];
	_ =	sdelay $0x4  }
0x4c: {  	v62 =	vshll.u32 v3, $0x3  }
0x4d: {  	v3 =	vand.u32 $0x7, v3;
	v4 =	vand.u32 $0xFFFFFFC0, v62  }
0x4e: {  	v3 =	vor.u32 v3, v4  }
0x4f: {  	v4 =	vperm.xlane v3, v0;
	_ =	sdelay $0x1  }
0x50: {  	v4 =	vadd.s32 v1, v4;
	_ =	sdelay $0x4  }
0x51: {  	[tilespmem:s12], [sflag:$0x2] =	stream.indirect_vreg.gather [hbm4b:s2+s3], $0x80, v4, vm0, $0xb8;
	[tilespmem:$0x10080] =	vst v63  }
0x52: {  	v3 =	vperm.xlane v3, v2  }
0x53: {  	[tilespmem:s13], [sflag:$0x2] =	stream.indirect_vreg.gather [hbm4b:s4+s3], $0x80, v4, vm0, $0xb8;
	[tilespmem:$0x10080] =	vst v63  }
0x54: {  	v3 =	vadd.s32 v1, v3  }
0x55: {  	[tilespmem:s14], [sflag:$0x2] =	stream.indirect_vreg.gather [hbm4b:s5+s3], $0x80, v4, vm0, $0xb8;
	[tilespmem:$0x10080] =	vst v63  }
0x56: {  	_ = 	snop  }
0x57: {  	[tilespmem:s15], [sflag:$0x2] =	stream.indirect_vreg.gather [hbm4b:s6+s3], $0x80, v4, vm0, $0xb8;
	[tilespmem:$0x10080] =	vst v63  }
0x58: {  	_ = 	snop  }
0x59: {  	[tilespmem:s16], [sflag:$0x2] =	stream.indirect_vreg.gather [hbm4b:s2+s3], $0x80, v3, vm0, $0xb8;
	[tilespmem:$0x10080] =	vst v63  }
0x5a: {  	_ = 	snop  }
0x5b: {  	[tilespmem:s17], [sflag:$0x2] =	stream.indirect_vreg.gather [hbm4b:s4+s3], $0x80, v3, vm0, $0xb8;
	[tilespmem:$0x10080] =	vst v63  }
0x5c: {  	_ = 	snop  }
0x5d: {  	[tilespmem:s18], [sflag:$0x2] =	stream.indirect_vreg.gather [hbm4b:s5+s3], $0x80, v3, vm0, $0xb8;
	[tilespmem:$0x10080] =	vst v63  }
0x5e: {  	_ = 	snop  }
0x5f: {  	[tilespmem:s19], [sflag:$0x2] =	stream.indirect_vreg.gather [hbm4b:s6+s3], $0x80, v3, vm0, $0xb8;
	[tilespmem:$0x10080] =	vst v63  }
0x60: {  	v3 =	vld [tilespmem:$0x30];
	_ =	sdelay $0x4  }
0x61: {  	v63 =	vshll.u32 v3, $0x3  }
0x62: {  	v3 =	vand.u32 $0x7, v3;
	v4 =	vand.u32 $0xFFFFFFC0, v63  }
0x63: {  	v3 =	vor.u32 v3, v4  }
0x64: {  	v4 =	vperm.xlane v3, v0;
	_ =	sdelay $0x1  }
0x65: {  	v4 =	vadd.s32 v1, v4;
	_ =	sdelay $0x4  }
0x66: {  	[tilespmem:s20], [sflag:$0x2] =	stream.indirect_vreg.gather [hbm4b:s2+s3], $0x80, v4, vm0, $0xb8;
	[tilespmem:$0x10080] =	vst v63  }
0x67: {  	v3 =	vperm.xlane v3, v2  }
0x68: {  	[tilespmem:s21], [sflag:$0x2] =	stream.indirect_vreg.gather [hbm4b:s4+s3], $0x80, v4, vm0, $0xb8;
	[tilespmem:$0x10080] =	vst v63  }
0x69: {  	v3 =	vadd.s32 v1, v3  }
0x6a: {  	[tilespmem:s22], [sflag:$0x2] =	stream.indirect_vreg.gather [hbm4b:s5+s3], $0x80, v4, vm0, $0xb8;
	[tilespmem:$0x10080] =	vst v63  }
0x6b: {  	_ = 	snop  }
0x6c: {  	[tilespmem:s23], [sflag:$0x2] =	stream.indirect_vreg.gather [hbm4b:s6+s3], $0x80, v4, vm0, $0xb8;
	[tilespmem:$0x10080] =	vst v63  }
0x6d: {  	_ = 	snop  }
0x6e: {  	[tilespmem:s24], [sflag:$0x2] =	stream.indirect_vreg.gather [hbm4b:s2+s3], $0x80, v3, vm0, $0xb8;
	[tilespmem:$0x10080] =	vst v63  }
0x6f: {  	_ = 	snop  }
0x70: {  	[tilespmem:s25], [sflag:$0x2] =	stream.indirect_vreg.gather [hbm4b:s4+s3], $0x80, v3, vm0, $0xb8;
	[tilespmem:$0x10080] =	vst v63  }
0x71: {  	_ = 	snop  }
0x72: {  	[tilespmem:s26], [sflag:$0x2] =	stream.indirect_vreg.gather [hbm4b:s5+s3], $0x80, v3, vm0, $0xb8;
	[tilespmem:$0x10080] =	vst v63  }
0x73: {  	_ = 	snop  }
0x74: {  	[tilespmem:s28], [sflag:$0x2] =	stream.indirect_vreg.gather [hbm4b:s6+s3], $0x80, v3, vm0, $0xb8;
	[tilespmem:$0x10080] =	vst v63  }
0x75: {  	_ =	swait.ge [sflag:s29], $0x8000  }
0x76: {  	[sflag:s29] =	ssyncset.done $0x0  }
0x77: {  	s10 =	rddreg [dreg:$0x4];
	[sflag:s29] =	ssyncadd.s32 $0xFFFF8000  }
0x78: {  	[hbm4b:s10+s3] =	stream.linear.scatter [tilespmem:s9], [sflag:$0x3], $0x8000, $0x38;
	[tilespmem:$0x10080] =	vst v63  }
0x79: {  	_ =	swait.ge [sflag:s30], $0x8000  }
0x7a: {  	[sflag:s30] =	ssyncset.done $0x0  }
0x7b: {  	s10 =	rddreg [dreg:$0x5];
	[sflag:s30] =	ssyncadd.s32 $0xFFFF8000  }
0x7c: {  	[hbm4b:s10+s3] =	stream.linear.scatter [tilespmem:s12], [sflag:$0x4], $0x8000, $0x38;
	[tilespmem:$0x10080] =	vst v63  }
0x7d: {  	p0 =	sne.s32 s7, $0x1;
	_ =	swait.ge [sflag:s31], $0x8000  }
.Ltmp0:
0x7e: {  	[sflag:s31] =	ssyncset.done $0x0;
	(pc) =	sbr.rel @p0 .LBB2_1-.Ltmp0, $4  }
0x7f: {  	[sflag:s31] =	ssyncadd.s32 $0xFFFF8000  }
0x80: {  	_ =	swait.ge [sflag:s1], $0x8000  }
0x81: {  	[sflag:s1] =	ssyncset.done $0x0  }
0x82: {  	s7 =	sadd.s32 $0xFFFFFFFF, s7;
	[sflag:s1] =	ssyncadd.s32 $0xFFFF8000  }
0x83: {  	_ =	sfence.sel $0x180000  }
0x84: {  	[bflag:$0x0] =	sbarrier.arrive $0xFFFF  }
0x85: {  	_ =	strace $0x9000004D  }
0x86: {  	s0 =	stileid.u32;
	[bflag:$0x2] =	sbarrier.arrive $0xFFFF  }
0x87: {  	p0 =	sne.s32 s0, $0x0;
	s0 =	rddreg [dreg:$0x2]  }
0x88: {  	s0 =	sadd.s32 @!p0 $0x100000, s0  }
0x89: {  	[sflag:s0] =	ssyncadd.tile.s32 @!p0 $0x1;
	_ =	shalt  }
.Lfunc_end2:
_tile_overlayer_lowered:
.L_overlay_start_2:
0x8a: {  	(tag) =	ssettag $0x2  }
0x8b: {  	s0 =	rddreg [dreg:$0x0];
	s2 =	stileid.u32  }
0x8c: {  	s1 =	rddreg [dreg:$0x1];
	p0 =	sne.s32 s2, $0x0  }
0x8d: {  	s3 =	rddreg [dreg:$0x2];
	[bflag:$0x3] =	sbarrier.arrive $0xFFFF;
	s2 =	simm.s32 @!p0 $0x1C05  }
0x8e: {  	[timem:s3], [sflag:s2] =	dma.local @!p0 [hbm:s0], s1  }
0x8f: {  	s0 =	simm.s32 @!p0 $0x5  }
0x90: {  	_ =	swait.ge @!p0 [sflag:s0], s1  }
0x91: {  	s1 =	ssub.s32 @!p0 $0x0, s1;
	[sflag:s0] =	ssyncset.done @!p0 $0x0  }
0x92: {  	[sflag:s0] =	ssyncadd.s32 @!p0 s1  }
0x93: {  	[bflag:$0x3] =	sbarrier.arrive $0xFFFF  }
0x94: {  	_ =	shalt  }

// kernel: kernel.19.cloned.1.call-start
scs
__scs_entry_jumppad:
0x0: {  	(pc) =	sbr.rel $0x88, $3  }
0x1: {  	(tag) =	ssettag $0x0;
	lr =	simm.s32 $0x1  }
0x2: {  	[smem:$0x3F9C] =	sst lr;
	_ =	strace $0xD0000000  }
0x3: {  	_ = 	snop  }
0x4: {  	_ = 	snop  }
0x5: {  	_ = 	snop  }
0x6: {  	_ = 	snop  }
0x7: {  	_ = 	snop  }
__scs_overlays_trampoline_lowered:
0x8: {  	[smem:$0x3FAB] =	sst s0  }
0x9: {  	[smem:$0x3FAC] =	sst s1  }
0xa: {  	[smem:$0x3FAD] =	sst s2  }
0xb: {  	[smem:$0x3FAE] =	sst s3  }
0xc: {  	[smem:$0x3FAF] =	sst s4  }
0xd: {  	[smem:$0x3FB0] =	sst s5  }
0xe: {  	[smem:$0x3FB1] =	sst s6  }
0xf: {  	[smem:$0x3FB2] =	sst s7  }
0x10: {  	[smem:$0x3FB3] =	sst s8  }
0x11: {  	[smem:$0x3FB4] =	sst s9;
	s0 =	simm.s32 @!p0 $0x0  }
0x12: {  	s1 =	sld [smem:$0x3F9A];
	s0 =	simm.s32 @p0 $0x1  }
0x13: {  	[smem:$0x3FB5] =	sst s0;
	s0 =	simm.s32 @!p1 $0x0  }
0x14: {  	s2 =	sld [smem:$0x3F99];
	s0 =	simm.s32 @p1 $0x1  }
0x15: {  	[smem:$0x3FB6] =	sst s0;
	s0 =	simm.s32 @!p2 $0x0  }
0x16: {  	s3 =	sld [smem:$0x3FDB];
	s0 =	simm.s32 @p2 $0x1  }
0x17: {  	s4 =	simm.s32 $0x1BF5;
	[smem:$0x3FB8] =	sst s0  }
0x18: {  	s0 =	sld [smem:$0x3F9B];
	_ =	swait.ge [sflag:s4], $0x0  }
0x19: {  	s7 =	sld [smem:$0x3F9C]  }
0x1a: {  	s8 =	sadd.s32 $0xFFFFE003, lr  }
0x1b: {  	s9 =	sadd.s32 $0xFFFFFEF7, lr;
	s5 =	simm.s32 $0xFFFFFFFF;
	p2 =	slt.u32 s8, $0xFFFFF086  }
0x1c: {  	p1 =	slt.u32 s9, $0xF7A;
	s5 =	simm.s32 @!p2 $0x0  }
0x1d: {  	s5 =	simm.s32 @p1 $0x1;
	p0 =	seq.s32 s7, s2  }
0x1e: {  	s7 =	smul.u32 @!p0 $0xF7A, s2;
	p2 =	seq.s32 @!p0 s5, $0x0  }
0x1f: {  	s9 =	smul.u32 $0xF7A, s1;
	s8 =	simm.s32 @!p0 $0x1BF5;
	p2 =	por !p2, p0  }
0x20: {  	[sflag:s8] =	ssyncset.s32 @!p0 $0xFFFFF086;
	s6 =	sadd.s32 @!p0 s3, s7;
	s7 =	simm.s32 @!p0 $0x108  }
0x21: {  	s3 =	sadd.s32 s3, s9;
	s6 =	sadd.s32 @!p0 $0x88, s6;
	s7 =	simm.s32 @p2 $0x1082  }
0x22: {  	[simem:s7], [sflag:s8] =	dma.local @!p0 [hbm:s6], $0xF7A  }
0x23: {  	s9 =	sor.u32 $0xD0000000, s2;
	s6 =	simm.s32 $0x108;
	_ =	swait.ge @!p0 [sflag:s8], $0x0  }
0x24: {  	s3 =	sadd.s32 $0x88, s3;
	s6 =	simm.s32 @!p1 $0x1082;
	[sflag:s4] =	ssyncset.s32 $0xFFFFF086  }
0x25: {  	[simem:s6], [sflag:s4] =	dma.local [hbm:s3], $0xF7A  }
0x26: {  	[smem:$0x3F9C] =	sst s1;
	(tag) =	ssettag s2;
	_ =	strace s9  }
0x27: {  	s1 =	sld [smem:$0x3FAC]  }
0x28: {  	s2 =	sld [smem:$0x3FAD]  }
0x29: {  	s4 =	sld [smem:$0x3FAF]  }
0x2a: {  	p0 =	seq.s32 s5, $0x0;
	s5 =	sld [smem:$0x3FB0]  }
0x2b: {  	s6 =	sld [smem:$0x3FB1]  }
0x2c: {  	s7 =	sld [smem:$0x3FB2]  }
0x2d: {  	s3 =	simm.s32 $0x108;
	s8 =	sld [smem:$0x3FB3]  }
0x2e: {  	s3 =	simm.s32 @!p0 $0x1082;
	s9 =	sld [smem:$0x3FB4]  }
0x2f: {  	lr =	sadd.s32 s0, s3;
	s0 =	sld [smem:$0x3FAB]  }
0x30: {  	s3 =	sld [smem:$0x3FAE]  }
0x31: {  	[smem:$0x3FB7] =	sst s10  }
0x32: {  	s10 =	sld [smem:$0x3FB5];
	_ =	sdelay $0x3  }
0x33: {  	p0 =	seq.s32 s10, $0x1;
	s10 =	sld [smem:$0x3FB7];
	_ =	sdelay $0x3  }
0x34: {  	[smem:$0x3FB7] =	sst s10  }
0x35: {  	s10 =	sld [smem:$0x3FB6];
	_ =	sdelay $0x3  }
0x36: {  	p1 =	seq.s32 s10, $0x1;
	s10 =	sld [smem:$0x3FB7];
	_ =	sdelay $0x3  }
0x37: {  	[smem:$0x3FB7] =	sst s10  }
0x38: {  	s10 =	sld [smem:$0x3FB8]  }
0x39: {  	_ = 	snop;
	(pc) =	sbr.ind lr, $3  }
0x3a: {  	_ = 	snop  }
0x3b: {  	_ = 	snop  }
0x3c: {  	p2 =	seq.s32 s10, $0x1;
	s10 =	sld [smem:$0x3FB7]  }
0x3d: {  	_ =	shalt  }
0x3e: {  	_ =	shalt  }
0x3f: {  	_ =	shalt  }
0x40: {  	_ =	shalt  }
0x41: {  	_ =	shalt  }
0x42: {  	_ =	shalt  }
0x43: {  	_ =	shalt  }
0x44: {  	_ =	shalt  }
0x45: {  	_ =	shalt  }
0x46: {  	_ =	shalt  }
0x47: {  	_ =	shalt  }
0x48: {  	_ =	shalt  }
0x49: {  	_ =	shalt  }
0x4a: {  	_ =	shalt  }
0x4b: {  	_ =	shalt  }
0x4c: {  	_ =	shalt  }
0x4d: {  	_ =	shalt  }
0x4e: {  	_ =	shalt  }
0x4f: {  	_ =	shalt  }
0x50: {  	_ =	shalt  }
0x51: {  	_ =	shalt  }
0x52: {  	_ =	shalt  }
0x53: {  	_ =	shalt  }
0x54: {  	_ =	shalt  }
0x55: {  	_ =	shalt  }
0x56: {  	_ =	shalt  }
0x57: {  	_ =	shalt  }
0x58: {  	_ =	shalt  }
0x59: {  	_ =	shalt  }
0x5a: {  	_ =	shalt  }
0x5b: {  	_ =	shalt  }
0x5c: {  	_ =	shalt  }
0x5d: {  	_ =	shalt  }
0x5e: {  	_ =	shalt  }
0x5f: {  	_ =	shalt  }
0x60: {  	_ =	shalt  }
0x61: {  	_ =	shalt  }
0x62: {  	_ =	shalt  }
0x63: {  	_ =	shalt  }
0x64: {  	_ =	shalt  }
0x65: {  	_ =	shalt  }
0x66: {  	_ =	shalt  }
0x67: {  	_ =	shalt  }
0x68: {  	_ =	shalt  }
0x69: {  	_ =	shalt  }
0x6a: {  	_ =	shalt  }
0x6b: {  	_ =	shalt  }
0x6c: {  	_ =	shalt  }
0x6d: {  	_ =	shalt  }
0x6e: {  	_ =	shalt  }
0x6f: {  	_ =	shalt  }
0x70: {  	_ =	shalt  }
0x71: {  	_ =	shalt  }
0x72: {  	_ =	shalt  }
0x73: {  	_ =	shalt  }
0x74: {  	_ =	shalt  }
0x75: {  	_ =	shalt  }
0x76: {  	_ =	shalt  }
0x77: {  	_ =	shalt  }
0x78: {  	_ =	shalt  }
0x79: {  	_ =	shalt  }
0x7a: {  	_ =	shalt  }
0x7b: {  	_ =	shalt  }
0x7c: {  	_ =	shalt  }
0x7d: {  	_ =	shalt  }
0x7e: {  	_ =	shalt  }
0x7f: {  	_ =	shalt  }
0x80: {  	_ =	shalt  }
0x81: {  	_ =	shalt  }
0x82: {  	_ =	shalt  }
0x83: {  	_ =	shalt  }
0x84: {  	_ =	shalt  }
0x85: {  	_ =	shalt  }
0x86: {  	_ =	shalt  }
0x87: {  	_ =	shalt  }
.Lfunc_end0:
.L_simem_size_0:
called_computation.3_lowered:
.L_overlay_start_0:
0x88: {  	s2 =	sld [smem:$0x3FD9]  }
0x89: {  	s3 =	sld [smem:$0x3FFE];
	_ =	sdelay $0x1  }
0x8a: {  	s1 =	srdreg.scid  }
0x8b: {  	s0 =	sand.u32 $0x1, s1  }
0x8c: {  	s17 =	sshll.u32 s0, $0xA;
	s2 =	sadd.s32 s3, s2  }
0x8d: {  	s2 =	sadd.s32 s2, s17  }
0x8e: {  	[smem:$0x3FC3] =	sst s2  }
0x8f: {  	_ = 	snop  }
0x90: {  	s18 =	sld [smem:$0x3FC8];
	(tm) =	ssettm $0x1  }
0x91: {  	s19 =	sld [smem:$0x3FFB];
	_ =	sdelay $0x3  }
0x92: {  	_ =	strace s19  }
0x93: {  	s2 =	sld [smem:$0x3FFC];
	_ =	sdelay $0x3  }
0x94: {  	_ =	strace s2  }
0x95: {  	s2 =	sld [smem:$0x3FFD];
	_ =	sdelay $0x3  }
0x96: {  	_ =	strace s2  }
0x97: {  	_ =	strace $0x8FFFFFFF  }
0x98: {  	s20 =	sld [smem:$0x3FDB];
	_ =	sdelay $0x1  }
0x99: {  	s4 =	simm.s32 $_scs_section_size  }
0x9a: {  	s5 =	simm.s32 $_size__tile_overlayer_lowered;
	s6 =	simm.s32 $_tile_overlayer_lowered  }
0x9b: {  	s7 =	simm.s32 $0x1BFF;
	s21 =	sshll.u32 s6, $0x1;
	s4 =	sadd.s32 s4, s20  }
0x9c: {  	s22 =	simm.s32 $0x0;
	s5 =	sshll.u32 s5, $0x1;
	s6 =	sadd.s32 s21, s4  }
0x9d: {  	[timem:s22], [sflag:s7] =	dma.local [hbm:s6], s5  }
0x9e: {  	_ =	swait.ge [sflag:s7], s5  }
0x9f: {  	s5 =	ssub.s32 $0x0, s5;
	[sflag:s7] =	ssyncset.done $0x0  }
0xa0: {  	[sflag:s7] =	ssyncadd.s32 s5;
	_ =	sdelay $0x1  }
0xa1: {  	s23 =	simm.s32 $0x1B8B  }
0xa2: {  	_ =	swait.ge [sflag:s23], $0x1  }
0xa3: {  	[sflag:s23] =	ssyncset.done $0x0  }
0xa4: {  	[sflag:s23] =	ssyncadd.s32 $0xFFFFFFFF  }
0xa5: {  	s5 =	sld [smem:$0x0]  }
0xa6: {  	s6 =	sand.u32 $0xFFFFFFFE, s1  }
0xa7: {  	p0 =	sne.s32 s1, s6  }
0xa8: {  	s6 =	sshll.u32 @p0 s6, $0xE  }
0xa9: {  	s6 =	sadd.s32 @p0 $0x11B8D, s6;
	s7 =	sshll.u32 @p0 s5, $0x11  }
0xaa: {  	s6 =	sor.u32 @p0 s7, s6  }
0xab: {  	[sflag:s6] =	ssyncadd.remote.s32 @p0 $0x1;
	_ =	sdelay $0x1  }
0xac: {  	s6 =	simm.s32 @p0 $0x1B8D  }
0xad: {  	_ =	swait.eq @p0 [sflag:s6], $0x1  }
0xae: {  	[sflag:s6] =	ssyncadd.s32 @p0 $0xFFFFFFFF  }
0xaf: {  	s7 =	sshll.u32 @!p0 s1, $0xE  }
0xb0: {  	s7 =	sor.u32 @!p0 $0x4000, s7;
	s6 =	simm.s32 @!p0 $0x1B8D  }
0xb1: {  	s5 =	sshll.u32 @!p0 s5, $0x11;
	s7 =	sadd.s32 @!p0 $0x11B8D, s7;
	_ =	swait.eq @!p0 [sflag:s6], $0x1  }
0xb2: {  	s5 =	sor.u32 @!p0 s5, s7;
	[sflag:s6] =	ssyncadd.s32 @!p0 $0xFFFFFFFF  }
0xb3: {  	s25 =	simm.s32 $0x1B8E;
	s24 =	sld [smem:$0x3FFE];
	[sflag:s5] =	ssyncadd.remote.s32 @!p0 $0x1  }
0xb4: {  	s26 =	simm.s32 $execute0_lowered;
	[smem:$0x3FD2] =	sst s25  }
0xb5: {  	s6 =	sshll.u32 s26, $0x1;
	_ =	strace $0x8000004F;
	[dreg:$0x1] =	wrdreg $0xFFFFFFFF  }
0xb6: {  	s28 =	simm.s32 $_size_execute0_lowered;
	s4 =	sadd.s32 s4, s6;
	[dreg:$0x0] =	wrdreg $0x0  }
0xb7: {  	s6 =	sshll.u32 s28, $0x1;
	[dreg:$0x2] =	wrdreg s4  }
0xb8: {  	[dreg:$0x3] =	wrdreg s6  }
0xb9: {  	[dreg:$0x4] =	wrdreg $0xC0  }
0xba: {  	_ =	task [dreg:s22], $0x5FFFF  }
0xbb: {  	[dreg:$0x1] =	wrdreg $0xFFFFFFFF  }
0xbc: {  	[dreg:$0x0] =	wrdreg $0x60  }
0xbd: {  	[dreg:$0x2] =	wrdreg s24  }
0xbe: {  	[dreg:$0x3] =	wrdreg s18  }
0xbf: {  	[dreg:$0x4] =	wrdreg $0xC  }
0xc0: {  	_ =	task.clear_ibuf [dreg:s22], $0x5FFFF;
	_ =	strace $0x9000004F  }
0xc1: {  	s29 =	simm.s32 $0xC;
	_ =	strace $0x80000051  }
0xc2: {  	_ =	swait.ge [sflag:s29], $0x1  }
0xc3: {  	[sflag:s29] =	ssyncadd.s32 $0xFFFFFFFF  }
0xc4: {  	_ =	strace $0x90000051  }
0xc5: {  	_ =	sfence  }
0xc6: {  	s30 =	sld [smem:$0x0];
	_ =	sdelay $0x2  }
0xc7: {  	s31 =	sshll.u32 s1, $0xD;
	s1 =	sshrl.u32 s1, $0x2  }
0xc8: {  	s4 =	sand.u32 $0x4000, s31;
	s1 =	sadd.s32 s1, s30  }
0xc9: {  	s0 =	sor.u32 s4, s0;
	s1 =	sshll.u32 s1, $0x11  }
0xca: {  	s0 =	sor.u32 s1, s0  }
0xcb: {  	s0 =	sadd.s32 $0x8F2B, s0  }
0xcc: {  	[sflag:s0] =	ssyncadd.remote.s32 $0x1  }
0xcd: {  	_ =	sfence.sel $0xFFFF  }
0xce: {  	[dreg:$0x0] =	wrdreg $0xFFFFFFFF;
	(pc) =	sbr.abs _section_cstart, $3  }
0xcf: {  	[dreg:$0x1] =	wrdreg $0xFFFFFFFF  }
0xd0: {  	_ =	task.clear_ibuf [dreg:s22], $0x2FFFF;
	_ =	strace $0x9FFFFFFF  }
0xd1: {  	(tm) =	ssettm $0x7FFFFFFF  }
tec
execute0_lowered:
.L_overlay_start_1:
0x0: {  	(tag) =	ssettag $0x1  }
0x1: {  	s1 =	srdreg.scid;
	s4 =	rddreg [dreg:$0x0]  }
0x2: {  	s0 =	stileid.u32;
	s2 =	rddreg [dreg:$0x1];
	s15 =	simm.s32 $0x880  }
0x3: {  	s16 =	simm.s32 $0x1080;
	s17 =	simm.s32 $0x1880;
	s1 =	sand.u32 $0x1, s1  }
0x4: {  	s18 =	simm.s32 $0x2080;
	s3 =	sshll.u32 s0, $0x7;
	s5 =	sshll.u32 s1, $0x6  }
0x5: {  	s19 =	simm.s32 $0x2880;
	s5 =	sor.u32 s5, s3;
	s3 =	simm.s32 $0x0  }
0x6: {  	s20 =	simm.s32 $0x3080;
	s22 =	simm.s32 $0x3880;
	[smem:$0x7FF] =	sst s3  }
0x7: {  	s23 =	simm.s32 $0x4080;
	_ =	strace $0x80000050;
	[dreg:$0x6] =	wrdreg s15  }
0x8: {  	s24 =	simm.s32 $0x4880;
	s7 =	simm.s32 $0x5080;
	[dreg:$0x7] =	wrdreg s16  }
0x9: {  	s8 =	simm.s32 $0x5880;
	s25 =	simm.s32 $0x6080;
	[dreg:$0x8] =	wrdreg s17  }
0xa: {  	s26 =	simm.s32 $0x6880;
	s9 =	simm.s32 $0x80;
	[dreg:$0x9] =	wrdreg s18  }
0xb: {  	s11 =	simm.s32 $0x7880;
	s12 =	simm.s32 $0x8080;
	[dreg:$0xa] =	wrdreg s19  }
0xc: {  	s28 =	simm.s32 $0xF880;
	s29 =	simm.s32 $0x1;
	[dreg:$0xb] =	wrdreg s20  }
0xd: {  	s30 =	simm.s32 $0x2;
	s1 =	ssub.s32 $0x2, s1;
	[dreg:$0xc] =	wrdreg s22  }
0xe: {  	s31 =	simm.s32 $0x3;
	s21 =	sshrl.u32 s1, $0x1;
	[dreg:$0xd] =	wrdreg s23  }
0xf: {  	s6 =	sshrl.u32 s5, $0x3;
	s5 =	sshll.u32 s5, $0x7;
	[dreg:$0xe] =	wrdreg s24  }
0x10: {  	s1 =	ssub.s32 s1, s21;
	s21 =	simm.s32 $0xC880;
	[dreg:$0xf] =	wrdreg s7  }
0x11: {  	s6 =	sadd.s32 s6, s4;
	s4 =	sadd.s32 s5, s4;
	[dreg:$0x10] =	wrdreg s8  }
0x12: {  	s5 =	sadd.s32 $0x200, s2;
	s7 =	smax.u32 s1, $0x1;
	[dreg:$0x11] =	wrdreg s25  }
0x13: {  	s8 =	simm.s32 $0x5;
	[dreg:$0x12] =	wrdreg s26;
	s15 =	simm.s32 $0x9880  }
0x14: {  	s16 =	simm.s32 $0xA080;
	s17 =	simm.s32 $0xA880;
	s18 =	simm.s32 $0xB080  }
0x15: {  	s19 =	simm.s32 $0xB880;
	s20 =	simm.s32 $0xC080;
	s22 =	simm.s32 $0xD080  }
0x16: {  	s23 =	simm.s32 $0xD880;
	s24 =	simm.s32 $0xE080;
	s13 =	sadd.s32 $0x2A00, s6  }
0x17: {  	s25 =	simm.s32 $0xE880;
	s14 =	sadd.s32 $0x82E00, s4;
	[dreg:$0x3] =	wrdreg s13  }
0x18: {  	v2 =	vlaneseq.u32;
	s26 =	simm.s32 $0xF080;
	s4 =	sadd.s32 $0x83E00, s4;
	[dreg:$0x4] =	wrdreg s14  }
0x19: {  	vm0 =	vmmov $0xffff;
	v1 =	vshrl.u32 v2, $0x3;
	s1 =	simm.s32 $0x4;
	s6 =	sadd.s32 $0x300, s2;
	[dreg:$0x5] =	wrdreg s4  }
0x1a: {  	v0 =	vand.u32 $0x7, v2;
	v2 =	vor.u32 $0x8, v2;
	v1 =	vmul.u32 $0x8, v1;
	s4 =	sadd.s32 $0x100, s2;
	s13 =	simm.s32 $0x8880;
	s14 =	simm.s32 $0x9080  }
.LBB2_1:
0x1b: {  	s0 =	rddreg [dreg:$0x3]  }
0x1c: {  	[tilespmem:s3], [sflag:$0x5] =	stream.linear.gather [hbm4b:s0+s3], $0x40, $0x38;
	[tilespmem:$0x10080] =	vst v63  }
0x1d: {  	_ =	swait.ge [sflag:s8], $0x40  }
0x1e: {  	[sflag:s8] =	ssyncset.done $0x0  }
0x1f: {  	[sflag:s8] =	ssyncadd.s32 $0xFFFFFFC0  }
0x20: {  	v3 =	vld [tilespmem:$0x0];
	_ =	sdelay $0x4  }
0x21: {  	v4 =	vshll.u32 v3, $0x3  }
0x22: {  	v3 =	vand.u32 $0x7, v3;
	v4 =	vand.u32 $0xFFFFFFC0, v4  }
0x23: {  	v3 =	vor.u32 v3, v4  }
0x24: {  	v4 =	vperm.xlane v3, v0;
	_ =	sdelay $0x1  }
0x25: {  	v4 =	vadd.s32 v1, v4;
	_ =	sdelay $0x4  }
0x26: {  	[tilespmem:s9], [sflag:$0x1] =	stream.indirect_vreg.gather [hbm4b:s2+s3], $0x80, v4, vm0, $0xb8;
	[tilespmem:$0x10080] =	vst v63  }
0x27: {  	s0 =	rddreg [dreg:$0x6];
	v3 =	vperm.xlane v3, v2  }
0x28: {  	[tilespmem:s0], [sflag:$0x1] =	stream.indirect_vreg.gather [hbm4b:s4+s3], $0x80, v4, vm0, $0xb8;
	[tilespmem:$0x10080] =	vst v63  }
0x29: {  	s10 =	rddreg [dreg:$0x7];
	v3 =	vadd.s32 v1, v3  }
0x2a: {  	[tilespmem:s10], [sflag:$0x1] =	stream.indirect_vreg.gather [hbm4b:s5+s3], $0x80, v4, vm0, $0xb8;
	[tilespmem:$0x10080] =	vst v63  }
0x2b: {  	s0 =	rddreg [dreg:$0x8]  }
0x2c: {  	[tilespmem:s0], [sflag:$0x1] =	stream.indirect_vreg.gather [hbm4b:s6+s3], $0x80, v4, vm0, $0xb8;
	[tilespmem:$0x10080] =	vst v63  }
0x2d: {  	s10 =	rddreg [dreg:$0x9]  }
0x2e: {  	[tilespmem:s10], [sflag:$0x1] =	stream.indirect_vreg.gather [hbm4b:s2+s3], $0x80, v3, vm0, $0xb8;
	[tilespmem:$0x10080] =	vst v63  }
0x2f: {  	s0 =	rddreg [dreg:$0xa]  }
0x30: {  	[tilespmem:s0], [sflag:$0x1] =	stream.indirect_vreg.gather [hbm4b:s4+s3], $0x80, v3, vm0, $0xb8;
	[tilespmem:$0x10080] =	vst v63  }
0x31: {  	s10 =	rddreg [dreg:$0xb]  }
0x32: {  	[tilespmem:s10], [sflag:$0x1] =	stream.indirect_vreg.gather [hbm4b:s5+s3], $0x80, v3, vm0, $0xb8;
	[tilespmem:$0x10080] =	vst v63  }
0x33: {  	s0 =	rddreg [dreg:$0xc]  }
0x34: {  	[tilespmem:s0], [sflag:$0x1] =	stream.indirect_vreg.gather [hbm4b:s6+s3], $0x80, v3, vm0, $0xb8;
	[tilespmem:$0x10080] =	vst v63  }
0x35: {  	v3 =	vld [tilespmem:$0x10];
	_ =	sdelay $0x4  }
0x36: {  	v61 =	vshll.u32 v3, $0x3  }
0x37: {  	v3 =	vand.u32 $0x7, v3;
	v4 =	vand.u32 $0xFFFFFFC0, v61  }
0x38: {  	v3 =	vor.u32 v3, v4  }
0x39: {  	v4 =	vperm.xlane v3, v0;
	_ =	sdelay $0x1  }
0x3a: {  	v4 =	vadd.s32 v1, v4;
	_ =	sdelay $0x3  }
0x3b: {  	s0 =	rddreg [dreg:$0xd]  }
0x3c: {  	[tilespmem:s0], [sflag:$0x1] =	stream.indirect_vreg.gather [hbm4b:s2+s3], $0x80, v4, vm0, $0xb8;
	[tilespmem:$0x10080] =	vst v63  }
0x3d: {  	s10 =	rddreg [dreg:$0xe];
	v3 =	vperm.xlane v3, v2  }
0x3e: {  	[tilespmem:s10], [sflag:$0x1] =	stream.indirect_vreg.gather [hbm4b:s4+s3], $0x80, v4, vm0, $0xb8;
	[tilespmem:$0x10080] =	vst v63  }
0x3f: {  	v3 =	vadd.s32 v1, v3;
	s0 =	rddreg [dreg:$0xf]  }
0x40: {  	[tilespmem:s0], [sflag:$0x1] =	stream.indirect_vreg.gather [hbm4b:s5+s3], $0x80, v4, vm0, $0xb8;
	[tilespmem:$0x10080] =	vst v63  }
0x41: {  	s10 =	rddreg [dreg:$0x10]  }
0x42: {  	[tilespmem:s10], [sflag:$0x1] =	stream.indirect_vreg.gather [hbm4b:s6+s3], $0x80, v4, vm0, $0xb8;
	[tilespmem:$0x10080] =	vst v63  }
0x43: {  	s0 =	rddreg [dreg:$0x11]  }
0x44: {  	[tilespmem:s0], [sflag:$0x1] =	stream.indirect_vreg.gather [hbm4b:s2+s3], $0x80, v3, vm0, $0xb8;
	[tilespmem:$0x10080] =	vst v63  }
0x45: {  	s10 =	rddreg [dreg:$0x12]  }
0x46: {  	[tilespmem:s10], [sflag:$0x1] =	stream.indirect_vreg.gather [hbm4b:s4+s3], $0x80, v3, vm0, $0xb8;
	[tilespmem:$0x10080] =	vst v63  }
0x47: {  	s10 =	simm.s32 $0x7080  }
0x48: {  	[tilespmem:s10], [sflag:$0x1] =	stream.indirect_vreg.gather [hbm4b:s5+s3], $0x80, v3, vm0, $0xb8;
	[tilespmem:$0x10080] =	vst v63  }
0x49: {  	_ = 	snop  }
0x4a: {  	[tilespmem:s11], [sflag:$0x1] =	stream.indirect_vreg.gather [hbm4b:s6+s3], $0x80, v3, vm0, $0xb8;
	[tilespmem:$0x10080] =	vst v63  }
0x4b: {  	v3 =	vld [tilespmem:$0x20];
	_ =	sdelay $0x4  }
0x4c: {  	v62 =	vshll.u32 v3, $0x3  }
0x4d: {  	v3 =	vand.u32 $0x7, v3;
	v4 =	vand.u32 $0xFFFFFFC0, v62  }
0x4e: {  	v3 =	vor.u32 v3, v4  }
0x4f: {  	v4 =	vperm.xlane v3, v0;
	_ =	sdelay $0x1  }
0x50: {  	v4 =	vadd.s32 v1, v4;
	_ =	sdelay $0x4  }
0x51: {  	[tilespmem:s12], [sflag:$0x2] =	stream.indirect_vreg.gather [hbm4b:s2+s3], $0x80, v4, vm0, $0xb8;
	[tilespmem:$0x10080] =	vst v63  }
0x52: {  	v3 =	vperm.xlane v3, v2  }
0x53: {  	[tilespmem:s13], [sflag:$0x2] =	stream.indirect_vreg.gather [hbm4b:s4+s3], $0x80, v4, vm0, $0xb8;
	[tilespmem:$0x10080] =	vst v63  }
0x54: {  	v3 =	vadd.s32 v1, v3  }
0x55: {  	[tilespmem:s14], [sflag:$0x2] =	stream.indirect_vreg.gather [hbm4b:s5+s3], $0x80, v4, vm0, $0xb8;
	[tilespmem:$0x10080] =	vst v63  }
0x56: {  	_ = 	snop  }
0x57: {  	[tilespmem:s15], [sflag:$0x2] =	stream.indirect_vreg.gather [hbm4b:s6+s3], $0x80, v4, vm0, $0xb8;
	[tilespmem:$0x10080] =	vst v63  }
0x58: {  	_ = 	snop  }
0x59: {  	[tilespmem:s16], [sflag:$0x2] =	stream.indirect_vreg.gather [hbm4b:s2+s3], $0x80, v3, vm0, $0xb8;
	[tilespmem:$0x10080] =	vst v63  }
0x5a: {  	_ = 	snop  }
0x5b: {  	[tilespmem:s17], [sflag:$0x2] =	stream.indirect_vreg.gather [hbm4b:s4+s3], $0x80, v3, vm0, $0xb8;
	[tilespmem:$0x10080] =	vst v63  }
0x5c: {  	_ = 	snop  }
0x5d: {  	[tilespmem:s18], [sflag:$0x2] =	stream.indirect_vreg.gather [hbm4b:s5+s3], $0x80, v3, vm0, $0xb8;
	[tilespmem:$0x10080] =	vst v63  }
0x5e: {  	_ = 	snop  }
0x5f: {  	[tilespmem:s19], [sflag:$0x2] =	stream.indirect_vreg.gather [hbm4b:s6+s3], $0x80, v3, vm0, $0xb8;
	[tilespmem:$0x10080] =	vst v63  }
0x60: {  	v3 =	vld [tilespmem:$0x30];
	_ =	sdelay $0x4  }
0x61: {  	v63 =	vshll.u32 v3, $0x3  }
0x62: {  	v3 =	vand.u32 $0x7, v3;
	v4 =	vand.u32 $0xFFFFFFC0, v63  }
0x63: {  	v3 =	vor.u32 v3, v4  }
0x64: {  	v4 =	vperm.xlane v3, v0;
	_ =	sdelay $0x1  }
0x65: {  	v4 =	vadd.s32 v1, v4;
	_ =	sdelay $0x4  }
0x66: {  	[tilespmem:s20], [sflag:$0x2] =	stream.indirect_vreg.gather [hbm4b:s2+s3], $0x80, v4, vm0, $0xb8;
	[tilespmem:$0x10080] =	vst v63  }
0x67: {  	v3 =	vperm.xlane v3, v2  }
0x68: {  	[tilespmem:s21], [sflag:$0x2] =	stream.indirect_vreg.gather [hbm4b:s4+s3], $0x80, v4, vm0, $0xb8;
	[tilespmem:$0x10080] =	vst v63  }
0x69: {  	v3 =	vadd.s32 v1, v3  }
0x6a: {  	[tilespmem:s22], [sflag:$0x2] =	stream.indirect_vreg.gather [hbm4b:s5+s3], $0x80, v4, vm0, $0xb8;
	[tilespmem:$0x10080] =	vst v63  }
0x6b: {  	_ = 	snop  }
0x6c: {  	[tilespmem:s23], [sflag:$0x2] =	stream.indirect_vreg.gather [hbm4b:s6+s3], $0x80, v4, vm0, $0xb8;
	[tilespmem:$0x10080] =	vst v63  }
0x6d: {  	_ = 	snop  }
0x6e: {  	[tilespmem:s24], [sflag:$0x2] =	stream.indirect_vreg.gather [hbm4b:s2+s3], $0x80, v3, vm0, $0xb8;
	[tilespmem:$0x10080] =	vst v63  }
0x6f: {  	_ = 	snop  }
0x70: {  	[tilespmem:s25], [sflag:$0x2] =	stream.indirect_vreg.gather [hbm4b:s4+s3], $0x80, v3, vm0, $0xb8;
	[tilespmem:$0x10080] =	vst v63  }
0x71: {  	_ = 	snop  }
0x72: {  	[tilespmem:s26], [sflag:$0x2] =	stream.indirect_vreg.gather [hbm4b:s5+s3], $0x80, v3, vm0, $0xb8;
	[tilespmem:$0x10080] =	vst v63  }
0x73: {  	_ = 	snop  }
0x74: {  	[tilespmem:s28], [sflag:$0x2] =	stream.indirect_vreg.gather [hbm4b:s6+s3], $0x80, v3, vm0, $0xb8;
	[tilespmem:$0x10080] =	vst v63  }
0x75: {  	_ =	swait.ge [sflag:s29], $0x8000  }
0x76: {  	[sflag:s29] =	ssyncset.done $0x0  }
0x77: {  	s10 =	rddreg [dreg:$0x4];
	[sflag:s29] =	ssyncadd.s32 $0xFFFF8000  }
0x78: {  	[hbm4b:s10+s3] =	stream.linear.scatter [tilespmem:s9], [sflag:$0x3], $0x8000, $0x38;
	[tilespmem:$0x10080] =	vst v63  }
0x79: {  	_ =	swait.ge [sflag:s30], $0x8000  }
0x7a: {  	[sflag:s30] =	ssyncset.done $0x0  }
0x7b: {  	s10 =	rddreg [dreg:$0x5];
	[sflag:s30] =	ssyncadd.s32 $0xFFFF8000  }
0x7c: {  	[hbm4b:s10+s3] =	stream.linear.scatter [tilespmem:s12], [sflag:$0x4], $0x8000, $0x38;
	[tilespmem:$0x10080] =	vst v63  }
0x7d: {  	p0 =	sne.s32 s7, $0x1;
	_ =	swait.ge [sflag:s31], $0x8000  }
.Ltmp0:
0x7e: {  	[sflag:s31] =	ssyncset.done $0x0;
	(pc) =	sbr.rel @p0 .LBB2_1-.Ltmp0, $4  }
0x7f: {  	[sflag:s31] =	ssyncadd.s32 $0xFFFF8000  }
0x80: {  	_ =	swait.ge [sflag:s1], $0x8000  }
0x81: {  	[sflag:s1] =	ssyncset.done $0x0  }
0x82: {  	s7 =	sadd.s32 $0xFFFFFFFF, s7;
	[sflag:s1] =	ssyncadd.s32 $0xFFFF8000  }
0x83: {  	_ =	sfence.sel $0x180000  }
0x84: {  	[bflag:$0x0] =	sbarrier.arrive $0xFFFF  }
0x85: {  	_ =	strace $0x90000050  }
0x86: {  	s0 =	stileid.u32;
	[bflag:$0x2] =	sbarrier.arrive $0xFFFF  }
0x87: {  	p0 =	sne.s32 s0, $0x0;
	s0 =	rddreg [dreg:$0x2]  }
0x88: {  	s0 =	sadd.s32 @!p0 $0x100000, s0  }
0x89: {  	[sflag:s0] =	ssyncadd.tile.s32 @!p0 $0x1;
	_ =	shalt  }
.Lfunc_end2:
_tile_overlayer_lowered:
.L_overlay_start_2:
0x8a: {  	(tag) =	ssettag $0x2  }
0x8b: {  	s0 =	rddreg [dreg:$0x0];
	s2 =	stileid.u32  }
0x8c: {  	s1 =	rddreg [dreg:$0x1];
	p0 =	sne.s32 s2, $0x0  }
0x8d: {  	s3 =	rddreg [dreg:$0x2];
	[bflag:$0x3] =	sbarrier.arrive $0xFFFF;
	s2 =	simm.s32 @!p0 $0x1C05  }
0x8e: {  	[timem:s3], [sflag:s2] =	dma.local @!p0 [hbm:s0], s1  }
0x8f: {  	s0 =	simm.s32 @!p0 $0x5  }
0x90: {  	_ =	swait.ge @!p0 [sflag:s0], s1  }
0x91: {  	s1 =	ssub.s32 @!p0 $0x0, s1;
	[sflag:s0] =	ssyncset.done @!p0 $0x0  }
0x92: {  	[sflag:s0] =	ssyncadd.s32 @!p0 s1  }
0x93: {  	[bflag:$0x3] =	sbarrier.arrive $0xFFFF  }
0x94: {  	_ =	shalt  }

</sc_bundles>
